<compile_context>
chip_gen: v7x
topology: tpu7x:2x2x1
jax: 0.10.2.dev20260603
libtpu: 0.0.44.dev20260713+nightly
codegen_flags: <defaults>
</compile_context>

<pallas_src>
import functools

import jax
import jax.numpy as jnp
from jax import lax
from jax.experimental import pallas as pl
from jax.experimental.pallas import tpu as pltpu
from jax.experimental.pallas import tpu_sc as plsc

N_NODES = 10000
N_EDGES = 320000
E_TOT = N_EDGES + N_NODES
NC, NS, LANES = 2, 16, 16
NW = NC * NS
CHUNK = 128
ITERS = -(-E_TOT // (NW * CHUNK))
E_PAD = NW * CHUNK * ITERS
SPAN = ITERS * CHUNK
N_ACC = 10240
RPT = N_ACC // NS
EBLK = 4096

_SC_PARAMS = pltpu.CompilerParams(
    needs_layout_passes=False, use_tc_tiling_on_sc=False)


def _dot_t(a, b):
    return lax.dot_general(a, b, (((1,), (1,)), ((), ())),
                           preferred_element_type=jnp.float32)


def _mm2_body(x_ref, ws_ref, wd_ref, os_ref, od_ref):
    xv = x_ref[...]
    os_ref[...] = _dot_t(xv, ws_ref[...])
    od_ref[...] = _dot_t(xv, wd_ref[...])


def _mm2(x, ws, wd, n_out):
    n = x.shape[0]
    return pl.pallas_call(
        _mm2_body,
        out_shape=[jax.ShapeDtypeStruct((n, n_out), jnp.float32),
                   jax.ShapeDtypeStruct((n, n_out), jnp.float32)],
    )(x, ws, wd)


def _gather_body(ch, txs, txd, src_h, dst_h, oj_h, oi_h,
                 idx_s, idx_d, txj, txi, sem1, sem2, sem3, sem4):
    c_id = lax.axis_index("c")
    s_id = lax.axis_index("s")
    wid = s_id * NC + c_id
    base_w = wid * SPAN

    def chunk_body(i, carry):
        base = base_w + i * CHUNK
        pltpu.sync_copy(src_h.at[pl.ds(base, CHUNK)], idx_s)
        pltpu.sync_copy(dst_h.at[pl.ds(base, CHUNK)], idx_d)
        cp1 = pltpu.async_copy(txs.at[idx_s], txj, sem1)
        cp2 = pltpu.async_copy(txd.at[idx_d], txi, sem2)
        cp1.wait()
        cp3 = pltpu.async_copy(txj, oj_h.at[pl.ds(base, CHUNK)], sem3)
        cp2.wait()
        cp4 = pltpu.async_copy(txi, oi_h.at[pl.ds(base, CHUNK)], sem4)
        cp3.wait()
        cp4.wait()
        return carry

    lax.fori_loop(0, ITERS, chunk_body, 0)


def _sc_gather(txs, txd, src, dst, ch):
    mesh = plsc.VectorSubcoreMesh(core_axis_name="c", subcore_axis_name="s",
                                  num_cores=NC, num_subcores=NS)
    kern = pl.kernel(
        functools.partial(_gather_body, ch),
        out_type=[jax.ShapeDtypeStruct((E_PAD, ch), jnp.float32),
                  jax.ShapeDtypeStruct((E_PAD, ch), jnp.float32)],
        mesh=mesh,
        compiler_params=_SC_PARAMS,
        scratch_types=[
            pltpu.VMEM((CHUNK,), jnp.int32),
            pltpu.VMEM((CHUNK,), jnp.int32),
            pltpu.VMEM((CHUNK, ch), jnp.float32),
            pltpu.VMEM((CHUNK, ch), jnp.float32),
            pltpu.SemaphoreType.DMA,
            pltpu.SemaphoreType.DMA,
            pltpu.SemaphoreType.DMA,
            pltpu.SemaphoreType.DMA,
        ],
    )
    return kern(txs, txd, src, dst)


def _edge_math_body(heads, padw, txj_ref, txi_ref, attn_ref, sel_ref, exp_ref,
                    rows_ref):
    tj = txj_ref[...]
    t = tj + txi_ref[...]
    lk = jnp.maximum(t, 0.2 * t)
    aw = lk * attn_ref[...]
    a = jnp.dot(aw, sel_ref[...], preferred_element_type=jnp.float32)
    ex = jnp.exp(a)
    exw = jnp.dot(ex, exp_ref[...], preferred_element_type=jnp.float32)
    rows_ref[...] = jnp.concatenate(
        [tj * exw, ex, jnp.zeros((tj.shape[0], padw), jnp.float32)], axis=1)


def _edge_math(txj, txi, attnf, ch, heads, roww):
    cpd = ch // heads
    sel = jnp.repeat(jnp.eye(heads, dtype=jnp.float32), cpd, axis=0)
    expand = jnp.repeat(jnp.eye(heads, dtype=jnp.float32), cpd, axis=1)
    grid = E_PAD // EBLK
    return pl.pallas_call(
        functools.partial(_edge_math_body, heads, roww - ch - heads),
        grid=(grid,),
        in_specs=[
            pl.BlockSpec((EBLK, ch), lambda i: (i, 0)),
            pl.BlockSpec((EBLK, ch), lambda i: (i, 0)),
            pl.BlockSpec((1, ch), lambda i: (0, 0)),
            pl.BlockSpec((ch, heads), lambda i: (0, 0)),
            pl.BlockSpec((heads, ch), lambda i: (0, 0)),
        ],
        out_specs=pl.BlockSpec((EBLK, roww), lambda i: (i, 0)),
        out_shape=jax.ShapeDtypeStruct((E_PAD, roww), jnp.float32),
    )(txj, txi, attnf.reshape(1, ch), sel, expand)


def _scatter_body(roww, rows_h, dst_h, zeros_h, out_h,
                  idx_d, rows_v, acc, sem1, sem2):
    c_id = lax.axis_index("c")
    s_id = lax.axis_index("s")
    wid = s_id * NC + c_id
    r0 = s_id * RPT
    pltpu.sync_copy(zeros_h.at[pl.ds(r0, RPT)], acc.at[pl.ds(r0, RPT)])
    plsc.subcore_barrier()
    base_w = wid * SPAN

    def chunk_body(i, carry):
        base = base_w + i * CHUNK
        cp1 = pltpu.async_copy(dst_h.at[pl.ds(base, CHUNK)], idx_d, sem1)
        cp2 = pltpu.async_copy(rows_h.at[pl.ds(base, CHUNK)], rows_v, sem2)
        cp1.wait()
        cp2.wait()
        pltpu.sync_copy(rows_v, acc.at[idx_d], add=True)
        return carry

    lax.fori_loop(0, ITERS, chunk_body, 0)
    plsc.subcore_barrier()
    pltpu.sync_copy(acc.at[pl.ds(r0, RPT)], out_h.at[c_id, pl.ds(r0, RPT)])


def _sc_scatter(rows, dst, roww):
    mesh = plsc.VectorSubcoreMesh(core_axis_name="c", subcore_axis_name="s",
                                  num_cores=NC, num_subcores=NS)
    kern = pl.kernel(
        functools.partial(_scatter_body, roww),
        out_type=jax.ShapeDtypeStruct((NC, N_ACC, roww), jnp.float32),
        mesh=mesh,
        compiler_params=_SC_PARAMS,
        scratch_types=[
            pltpu.VMEM((CHUNK,), jnp.int32),
            pltpu.VMEM((CHUNK, roww), jnp.float32),
            pltpu.VMEM_SHARED((N_ACC, roww), jnp.float32),
            pltpu.SemaphoreType.DMA,
            pltpu.SemaphoreType.DMA,
        ],
    )
    zeros = jnp.zeros((N_ACC, roww), jnp.float32)
    return kern(rows, dst, zeros)


def _k2_body(acc_ref, w2s_ref, w2d_ref, b1_ref, exp_ref, os_ref, od_ref):
    a0 = acc_ref[0]
    a1 = acc_ref[1]
    num = a0[:, :64] + a1[:, :64]
    den = a0[:, 64:72] + a1[:, 64:72]
    denw = jnp.dot(den, exp_ref[...], preferred_element_type=jnp.float32)
    h = num / (denw + 1e-16) + b1_ref[...][None, :]
    h = jnp.where(h > 0, h, jnp.exp(h) - 1.0)
    os_ref[...] = _dot_t(h, w2s_ref[...])
    od_ref[...] = _dot_t(h, w2d_ref[...])


def _k2(acc1, w2s, w2d, b1):
    expand = jnp.repeat(jnp.eye(8, dtype=jnp.float32), 8, axis=1)
    return pl.pallas_call(
        _k2_body,
        out_shape=[jax.ShapeDtypeStruct((N_ACC, 16), jnp.float32),
                   jax.ShapeDtypeStruct((N_ACC, 16), jnp.float32)],
    )(acc1, w2s, w2d, b1, expand)


def _k3_body(acc_ref, b2_ref, o_ref):
    a0 = acc_ref[0]
    a1 = acc_ref[1]
    num = a0[:, :16] + a1[:, :16]
    den = a0[:, 16:17] + a1[:, 16:17]
    o = num / (den + 1e-16) + b2_ref[...][None, :]
    m = jnp.max(o, axis=1, keepdims=True)
    e = jnp.exp(o - m)
    sm = e / jnp.sum(e, axis=1, keepdims=True)
    o_ref[...] = sm[:N_NODES]


def _k3(acc2, b2):
    return pl.pallas_call(
        _k3_body,
        out_shape=jax.ShapeDtypeStruct((N_NODES, 16), jnp.float32),
    )(acc2, b2)


def _layer(tx_s, tx_d, src, dst, attnf, ch, heads, roww):
    dst_g = jnp.minimum(dst, N_NODES - 1)
    txj, txi = _sc_gather(tx_s, tx_d, src, dst_g, ch)
    rows = _edge_math(txj, txi, attnf, ch, heads, roww)
    return _sc_scatter(rows, dst, roww)


def kernel(x, edge_index, W1_src, W1_dst, attn1, b1, W2_src, W2_dst, attn2, b2):
    loop = jnp.arange(N_NODES, dtype=jnp.int32)
    pad = E_PAD - E_TOT
    src = jnp.concatenate([edge_index[0].astype(jnp.int32), loop,
                           jnp.zeros((pad,), jnp.int32)])
    dst = jnp.concatenate([edge_index[1].astype(jnp.int32), loop,
                           jnp.full((pad,), N_NODES, jnp.int32)])

    tx1s, tx1d = _mm2(x, W1_src, W1_dst, 64)
    acc1 = _layer(tx1s, tx1d, src, dst, attn1.reshape(64), 64, 8, 80)
    tx2s, tx2d = _k2(acc1, W2_src, W2_dst, b1)
    acc2 = _layer(tx2s, tx2d, src, dst, attn2.reshape(16), 16, 1, 32)
    return _k3(acc2, b2)

# --- scband reference (transcript-rebuilt; emitter-appended) ---
"""Pipeline reference for scband-my-gatv2-36344013259386 (READ-ONLY COPY).

The authoritative reference and input builder live on the scoring server;
editing this copy changes nothing except your own understanding.
"""

import jax, jax.numpy as jnp
import numpy as np

N_NODES = 10000
N_EDGES = 320000
IN_CH = 128
HID = 8
HEADS = 8
OUT_CH = 16


def _glorot(key, shape):
    fan = shape[-1] + (shape[-2] if len(shape) > 1 else shape[-1])
    limit = np.sqrt(6.0 / fan)
    return jax.random.uniform(key, shape, dtype=jnp.float32, minval=-limit, maxval=limit)


def setup_inputs(seed: int = 0) -> dict:
    key = jax.random.key(seed)
    ks = jax.random.split(key, 12)
    x = jax.random.normal(ks[0], (N_NODES, IN_CH), dtype=jnp.float32)
    edge_index = jax.random.randint(ks[1], (2, N_EDGES), 0, N_NODES, dtype=jnp.int64)
    # layer 1: in=128 -> heads=8, out_ch=8 (concat -> 64)
    W1_src = _glorot(ks[2], (HEADS * HID, IN_CH))
    W1_dst = _glorot(ks[3], (HEADS * HID, IN_CH))
    attn1 = _glorot(ks[4], (1, HEADS, HID))
    b1 = jnp.zeros((HEADS * HID,), dtype=jnp.float32)
    # layer 2: in=64 -> heads=1, out_ch=16 (concat -> 16)
    W2_src = _glorot(ks[5], (1 * OUT_CH, HEADS * HID))
    W2_dst = _glorot(ks[6], (1 * OUT_CH, HEADS * HID))
    attn2 = _glorot(ks[7], (1, 1, OUT_CH))
    b2 = jnp.zeros((OUT_CH,), dtype=jnp.float32)
    return {"x": x, "edge_index": edge_index, "W1_src": W1_src, "W1_dst": W1_dst,
            "attn1": attn1, "b1": b1, "W2_src": W2_src, "W2_dst": W2_dst,
            "attn2": attn2, "b2": b2}


def _leaky_relu(x, negative_slope=0.2):
    return jnp.where(x >= 0, x, negative_slope * x)


def _gatv2_layer(x, src, dst, W_src, W_dst, attn, bias, heads, out_ch, concat, num_nodes):
    tx_src = (x @ W_src.T).reshape(-1, heads, out_ch)
    tx_dst = (x @ W_dst.T).reshape(-1, heads, out_ch)
    txj = tx_src[src]            # gather over source nodes -> [E, H, C]
    txi = tx_dst[dst]            # gather over target nodes -> [E, H, C]
    h = _leaky_relu(txj + txi)
    a = (attn * h).sum(-1)       # [E, H]
    amax = jax.ops.segment_max(a, dst, num_segments=num_nodes)
    amax = jnp.where(jnp.isfinite(amax), amax, 0.0)
    ex = jnp.exp(a - amax[dst])
    denom = jax.ops.segment_sum(ex, dst, num_segments=num_nodes)
    alpha = ex / (denom[dst] + 1e-16)
    out = jax.ops.segment_sum(txj * alpha[..., None], dst, num_segments=num_nodes)
    if concat:
        out = out.reshape(num_nodes, heads * out_ch)
    else:
        out = out.mean(axis=1)
    return out + bias


def reference(x, edge_index, W1_src, W1_dst, attn1, b1, W2_src, W2_dst, attn2, b2):
    num_nodes = x.shape[0]
    loop = jnp.arange(num_nodes, dtype=edge_index.dtype)
    src = jnp.concatenate([edge_index[0], loop])  # add_self_loops
    dst = jnp.concatenate([edge_index[1], loop])
    # dropout layers are identity at eval time
    h = _gatv2_layer(x, src, dst, W1_src, W1_dst, attn1, b1, HEADS, HID, True, num_nodes)
    h = jax.nn.elu(h)
    h = _gatv2_layer(h, src, dst, W2_src, W2_dst, attn2, b2, 1, OUT_CH, True, num_nodes)
    return jax.nn.softmax(h, axis=-1)

if __name__ == "__main__":
    import jax
    _d = setup_inputs()
    print(jax.jit(kernel)(*tuple(_d.values())))

</pallas_src>

<mosaic_0001>
#map = affine_map<(d0, d1) -> (0, 0)>
#map1 = affine_map<(d0, d1) -> (0)>
module attributes {stable_mosaic.version = 14 : i64} {
  func.func @_gather_body(%arg0: i32, %arg1: i32, %arg2: memref<10240x16xf32, #tpu.memory_space<hbm>>, %arg3: memref<10240x16xf32, #tpu.memory_space<hbm>>, %arg4: memref<331776xi32, #tpu.memory_space<hbm>>, %arg5: memref<331776xi32, #tpu.memory_space<hbm>>, %arg6: memref<331776x16xf32, #tpu.memory_space<hbm>>, %arg7: memref<331776x16xf32, #tpu.memory_space<hbm>>, %arg8: memref<128xi32, #tpu.memory_space<vmem>>, %arg9: memref<128xi32, #tpu.memory_space<vmem>>, %arg10: memref<128x16xf32, #tpu.memory_space<vmem>>, %arg11: memref<128x16xf32, #tpu.memory_space<vmem>>, %arg12: memref<!tpu.dma_semaphore, #tpu.memory_space<semaphore_mem>>, %arg13: memref<!tpu.dma_semaphore, #tpu.memory_space<semaphore_mem>>, %arg14: memref<!tpu.dma_semaphore, #tpu.memory_space<semaphore_mem>>, %arg15: memref<!tpu.dma_semaphore, #tpu.memory_space<semaphore_mem>>) attributes {dimension_semantics = [#tpu.dimension_semantics<core_parallel>, #tpu.dimension_semantics<subcore_parallel>], iteration_bounds = array<i64: 2, 16>, scalar_prefetch = 0 : i64, scratch_operands = 8 : i64, tpu.core_type = #tpu.core_type<sc_vector_subcore>, window_params = [{transform_indices = #map}, {transform_indices = #map}, {transform_indices = #map1}, {transform_indices = #map1}, {transform_indices = #map}, {transform_indices = #map}]} {
    %mul3A = arith.constant 2 : i32
    %mul3A_0 = arith.muli %arg1, %mul3A : i32
    %add3A = arith.addi %mul3A_0, %arg0 : i32
    %mul3A_1 = arith.constant 10368 : i32
    %mul3A_2 = arith.muli %add3A, %mul3A_1 : i32
    %scan3A = arith.constant 0 : i32
    %scan3A_3 = arith.constant 0 : i32
    %scan3A_4 = arith.constant 81 : i32
    %scan3A_5 = arith.addi %scan3A_3, %scan3A_4 : i32
    %scan3A_6 = arith.constant 1 : i32
    scf.for %scan3A_8 = %scan3A_3 to %scan3A_5 step %scan3A_6  : i32 {
      %mul3A_9 = arith.constant 128 : i32
      %mul3A_10 = arith.muli %scan3A_8, %mul3A_9 : i32
      %add3A_11 = arith.addi %mul3A_2, %mul3A_10 : i32
      "tpu.region"() ({
        %run_scoped3A = tpu.sem_alloc : memref<!tpu.dma_semaphore, #tpu.memory_space<semaphore_mem>>
        %dma_start3A_38 = tpu.memref_slice %arg4[%add3A_11] : memref<331776xi32, #tpu.memory_space<hbm>> -> memref<128xi32, #tpu.memory_space<hbm>>
        %dma_start3A_39 = tpu.memref_slice %arg4[%add3A_11] : memref<331776xi32, #tpu.memory_space<hbm>> -> memref<128xi32, #tpu.memory_space<hbm>>
        tpu.enqueue_dma source(%dma_start3A_39 : memref<128xi32, #tpu.memory_space<hbm>>) target(%arg8 : memref<128xi32, #tpu.memory_space<vmem>>) target_semaphore(%run_scoped3A : memref<!tpu.dma_semaphore, #tpu.memory_space<semaphore_mem>>)
        %dma_wait3A_40 = tpu.memref_slice %arg4[%add3A_11] : memref<331776xi32, #tpu.memory_space<hbm>> -> memref<128xi32, #tpu.memory_space<hbm>>
        %dma_wait3A_41 = tpu.memref_slice %arg4[%add3A_11] : memref<331776xi32, #tpu.memory_space<hbm>> -> memref<128xi32, #tpu.memory_space<hbm>>
        tpu.wait_dma2 semaphore(%run_scoped3A : memref<!tpu.dma_semaphore, #tpu.memory_space<semaphore_mem>>) src(%dma_wait3A_41 : memref<128xi32, #tpu.memory_space<hbm>>) dst(%arg8 : memref<128xi32, #tpu.memory_space<vmem>>)
        tpu.yield
      }) : () -> ()
      "tpu.region"() ({
        %run_scoped3A = tpu.sem_alloc : memref<!tpu.dma_semaphore, #tpu.memory_space<semaphore_mem>>
        %dma_start3A_38 = tpu.memref_slice %arg5[%add3A_11] : memref<331776xi32, #tpu.memory_space<hbm>> -> memref<128xi32, #tpu.memory_space<hbm>>
        %dma_start3A_39 = tpu.memref_slice %arg5[%add3A_11] : memref<331776xi32, #tpu.memory_space<hbm>> -> memref<128xi32, #tpu.memory_space<hbm>>
        tpu.enqueue_dma source(%dma_start3A_39 : memref<128xi32, #tpu.memory_space<hbm>>) target(%arg9 : memref<128xi32, #tpu.memory_space<vmem>>) target_semaphore(%run_scoped3A : memref<!tpu.dma_semaphore, #tpu.memory_space<semaphore_mem>>)
        %dma_wait3A_40 = tpu.memref_slice %arg5[%add3A_11] : memref<331776xi32, #tpu.memory_space<hbm>> -> memref<128xi32, #tpu.memory_space<hbm>>
        %dma_wait3A_41 = tpu.memref_slice %arg5[%add3A_11] : memref<331776xi32, #tpu.memory_space<hbm>> -> memref<128xi32, #tpu.memory_space<hbm>>
        tpu.wait_dma2 semaphore(%run_scoped3A : memref<!tpu.dma_semaphore, #tpu.memory_space<semaphore_mem>>) src(%dma_wait3A_41 : memref<128xi32, #tpu.memory_space<hbm>>) dst(%arg9 : memref<128xi32, #tpu.memory_space<vmem>>)
        tpu.yield
      }) : () -> ()
      %dma_start3A = arith.constant 0 : i32
      %dma_start3A_12 = arith.constant 0 : i32
      %dma_start3A_13 = tpu.memref_slice %arg2[%dma_start3A, %dma_start3A_12] : memref<10240x16xf32, #tpu.memory_space<hbm>> -> memref<10240x16xf32, #tpu.memory_space<hbm>>
      tpu.enqueue_indirect_dma source(%dma_start3A_13 : memref<10240x16xf32, #tpu.memory_space<hbm>>) target(%arg10 : memref<128x16xf32, #tpu.memory_space<vmem>>) offsets(%arg8 : memref<128xi32, #tpu.memory_space<vmem>>) semaphore(%arg12 : memref<!tpu.dma_semaphore, #tpu.memory_space<semaphore_mem>>)
      %dma_start3A_14 = arith.constant 0 : i32
      %dma_start3A_15 = arith.constant 0 : i32
      %dma_start3A_16 = tpu.memref_slice %arg3[%dma_start3A_14, %dma_start3A_15] : memref<10240x16xf32, #tpu.memory_space<hbm>> -> memref<10240x16xf32, #tpu.memory_space<hbm>>
      tpu.enqueue_indirect_dma source(%dma_start3A_16 : memref<10240x16xf32, #tpu.memory_space<hbm>>) target(%arg11 : memref<128x16xf32, #tpu.memory_space<vmem>>) offsets(%arg9 : memref<128xi32, #tpu.memory_space<vmem>>) semaphore(%arg13 : memref<!tpu.dma_semaphore, #tpu.memory_space<semaphore_mem>>)
      %dma_wait3A = arith.constant 0 : i32
      %dma_wait3A_17 = arith.constant 0 : i32
      %dma_wait3A_18 = tpu.memref_slice %arg2[%dma_wait3A, %dma_wait3A_17] : memref<10240x16xf32, #tpu.memory_space<hbm>> -> memref<10240x16xf32, #tpu.memory_space<hbm>>
      tpu.wait_indirect_dma semaphore(%arg12 : memref<!tpu.dma_semaphore, #tpu.memory_space<semaphore_mem>>) src(%dma_wait3A_18 : memref<10240x16xf32, #tpu.memory_space<hbm>>) dst(%arg10 : memref<128x16xf32, #tpu.memory_space<vmem>>)
      %dma_start3A_19 = arith.constant 0 : i32
      %dma_start3A_20 = tpu.memref_slice %arg6[%add3A_11, %dma_start3A_19] : memref<331776x16xf32, #tpu.memory_space<hbm>> -> memref<128x16xf32, #tpu.memory_space<hbm>>
      %dma_start3A_21 = arith.constant 0 : i32
      %dma_start3A_22 = tpu.memref_slice %arg6[%add3A_11, %dma_start3A_21] : memref<331776x16xf32, #tpu.memory_space<hbm>> -> memref<128x16xf32, #tpu.memory_space<hbm>>
      tpu.enqueue_dma source(%arg10 : memref<128x16xf32, #tpu.memory_space<vmem>>) target(%dma_start3A_22 : memref<128x16xf32, #tpu.memory_space<hbm>>) target_semaphore(%arg14 : memref<!tpu.dma_semaphore, #tpu.memory_space<semaphore_mem>>)
      %dma_wait3A_23 = arith.constant 0 : i32
      %dma_wait3A_24 = arith.constant 0 : i32
      %dma_wait3A_25 = tpu.memref_slice %arg3[%dma_wait3A_23, %dma_wait3A_24] : memref<10240x16xf32, #tpu.memory_space<hbm>> -> memref<10240x16xf32, #tpu.memory_space<hbm>>
      tpu.wait_indirect_dma semaphore(%arg13 : memref<!tpu.dma_semaphore, #tpu.memory_space<semaphore_mem>>) src(%dma_wait3A_25 : memref<10240x16xf32, #tpu.memory_space<hbm>>) dst(%arg11 : memref<128x16xf32, #tpu.memory_space<vmem>>)
      %dma_start3A_26 = arith.constant 0 : i32
      %dma_start3A_27 = tpu.memref_slice %arg7[%add3A_11, %dma_start3A_26] : memref<331776x16xf32, #tpu.memory_space<hbm>> -> memref<128x16xf32, #tpu.memory_space<hbm>>
      %dma_start3A_28 = arith.constant 0 : i32
      %dma_start3A_29 = tpu.memref_slice %arg7[%add3A_11, %dma_start3A_28] : memref<331776x16xf32, #tpu.memory_space<hbm>> -> memref<128x16xf32, #tpu.memory_space<hbm>>
      tpu.enqueue_dma source(%arg11 : memref<128x16xf32, #tpu.memory_space<vmem>>) target(%dma_start3A_29 : memref<128x16xf32, #tpu.memory_space<hbm>>) target_semaphore(%arg15 : memref<!tpu.dma_semaphore, #tpu.memory_space<semaphore_mem>>)
      %dma_wait3A_30 = arith.constant 0 : i32
      %dma_wait3A_31 = tpu.memref_slice %arg6[%add3A_11, %dma_wait3A_30] : memref<331776x16xf32, #tpu.memory_space<hbm>> -> memref<128x16xf32, #tpu.memory_space<hbm>>
      %dma_wait3A_32 = arith.constant 0 : i32
      %dma_wait3A_33 = tpu.memref_slice %arg6[%add3A_11, %dma_wait3A_32] : memref<331776x16xf32, #tpu.memory_space<hbm>> -> memref<128x16xf32, #tpu.memory_space<hbm>>
      tpu.wait_dma2 semaphore(%arg14 : memref<!tpu.dma_semaphore, #tpu.memory_space<semaphore_mem>>) src(%arg10 : memref<128x16xf32, #tpu.memory_space<vmem>>) dst(%dma_wait3A_33 : memref<128x16xf32, #tpu.memory_space<hbm>>)
      %dma_wait3A_34 = arith.constant 0 : i32
      %dma_wait3A_35 = tpu.memref_slice %arg7[%add3A_11, %dma_wait3A_34] : memref<331776x16xf32, #tpu.memory_space<hbm>> -> memref<128x16xf32, #tpu.memory_space<hbm>>
      %dma_wait3A_36 = arith.constant 0 : i32
      %dma_wait3A_37 = tpu.memref_slice %arg7[%add3A_11, %dma_wait3A_36] : memref<331776x16xf32, #tpu.memory_space<hbm>> -> memref<128x16xf32, #tpu.memory_space<hbm>>
      tpu.wait_dma2 semaphore(%arg15 : memref<!tpu.dma_semaphore, #tpu.memory_space<semaphore_mem>>) src(%arg11 : memref<128x16xf32, #tpu.memory_space<vmem>>) dst(%dma_wait3A_37 : memref<128x16xf32, #tpu.memory_space<hbm>>)
    }
    %scan3A_7 = arith.constant 81 : i32
    return
  }
}

#map = affine_map<(d0, d1) -> (0, 0)>
#map1 = affine_map<(d0, d1) -> (0)>
#map2 = affine_map<(d0, d1) -> (0, 0, 0)>
module attributes {stable_mosaic.version = 14 : i64} {
  func.func @_scatter_body(%arg0: i32, %arg1: i32, %arg2: memref<331776x32xf32, #tpu.memory_space<hbm>>, %arg3: memref<331776xi32, #tpu.memory_space<hbm>>, %arg4: memref<10240x32xf32, #tpu.memory_space<hbm>>, %arg5: memref<2x10240x32xf32, #tpu.memory_space<hbm>>, %arg6: memref<128xi32, #tpu.memory_space<vmem>>, %arg7: memref<128x32xf32, #tpu.memory_space<vmem>>, %arg8: memref<10240x32xf32, #tpu.memory_space<vmem_shared>>, %arg9: memref<!tpu.dma_semaphore, #tpu.memory_space<semaphore_mem>>, %arg10: memref<!tpu.dma_semaphore, #tpu.memory_space<semaphore_mem>>) attributes {dimension_semantics = [#tpu.dimension_semantics<core_parallel>, #tpu.dimension_semantics<subcore_parallel>], iteration_bounds = array<i64: 2, 16>, scalar_prefetch = 0 : i64, scratch_operands = 5 : i64, tpu.core_type = #tpu.core_type<sc_vector_subcore>, window_params = [{transform_indices = #map}, {transform_indices = #map1}, {transform_indices = #map}, {transform_indices = #map2}]} {
    %mul3A = arith.constant 2 : i32
    %mul3A_0 = arith.muli %arg1, %mul3A : i32
    %add3A = arith.addi %mul3A_0, %arg0 : i32
    %mul3A_1 = arith.constant 640 : i32
    %mul3A_2 = arith.muli %arg1, %mul3A_1 : i32
    "tpu.region"() ({
      %run_scoped3A = tpu.sem_alloc : memref<!tpu.dma_semaphore, #tpu.memory_space<semaphore_mem>>
      %dma_start3A = arith.constant 0 : i32
      %dma_start3A_11 = tpu.memref_slice %arg8[%mul3A_2, %dma_start3A] : memref<10240x32xf32, #tpu.memory_space<vmem_shared>> -> memref<640x32xf32, #tpu.memory_space<vmem_shared>>
      %dma_start3A_12 = arith.constant 0 : i32
      %dma_start3A_13 = tpu.memref_slice %arg4[%mul3A_2, %dma_start3A_12] : memref<10240x32xf32, #tpu.memory_space<hbm>> -> memref<640x32xf32, #tpu.memory_space<hbm>>
      tpu.enqueue_dma source(%dma_start3A_13 : memref<640x32xf32, #tpu.memory_space<hbm>>) target(%dma_start3A_11 : memref<640x32xf32, #tpu.memory_space<vmem_shared>>) target_semaphore(%run_scoped3A : memref<!tpu.dma_semaphore, #tpu.memory_space<semaphore_mem>>)
      %dma_wait3A = arith.constant 0 : i32
      %dma_wait3A_14 = tpu.memref_slice %arg8[%mul3A_2, %dma_wait3A] : memref<10240x32xf32, #tpu.memory_space<vmem_shared>> -> memref<640x32xf32, #tpu.memory_space<vmem_shared>>
      %dma_wait3A_15 = arith.constant 0 : i32
      %dma_wait3A_16 = tpu.memref_slice %arg4[%mul3A_2, %dma_wait3A_15] : memref<10240x32xf32, #tpu.memory_space<hbm>> -> memref<640x32xf32, #tpu.memory_space<hbm>>
      tpu.wait_dma2 semaphore(%run_scoped3A : memref<!tpu.dma_semaphore, #tpu.memory_space<semaphore_mem>>) src(%dma_wait3A_16 : memref<640x32xf32, #tpu.memory_space<hbm>>) dst(%dma_wait3A_14 : memref<640x32xf32, #tpu.memory_space<vmem_shared>>)
      tpu.yield
    }) : () -> ()
    %barrier3A = arith.constant 0 : index
    tpu.barrier barrier_id(%barrier3A)
    %mul3A_3 = arith.constant 10368 : i32
    %mul3A_4 = arith.muli %add3A, %mul3A_3 : i32
    %scan3A = arith.constant 0 : i32
    %scan3A_5 = arith.constant 0 : i32
    %scan3A_6 = arith.constant 81 : i32
    %scan3A_7 = arith.addi %scan3A_5, %scan3A_6 : i32
    %scan3A_8 = arith.constant 1 : i32
    scf.for %scan3A_11 = %scan3A_5 to %scan3A_7 step %scan3A_8  : i32 {
      %mul3A_12 = arith.constant 128 : i32
      %mul3A_13 = arith.muli %scan3A_11, %mul3A_12 : i32
      %add3A_14 = arith.addi %mul3A_4, %mul3A_13 : i32
      %dma_start3A = tpu.memref_slice %arg3[%add3A_14] : memref<331776xi32, #tpu.memory_space<hbm>> -> memref<128xi32, #tpu.memory_space<hbm>>
      %dma_start3A_15 = tpu.memref_slice %arg3[%add3A_14] : memref<331776xi32, #tpu.memory_space<hbm>> -> memref<128xi32, #tpu.memory_space<hbm>>
      tpu.enqueue_dma source(%dma_start3A_15 : memref<128xi32, #tpu.memory_space<hbm>>) target(%arg6 : memref<128xi32, #tpu.memory_space<vmem>>) target_semaphore(%arg9 : memref<!tpu.dma_semaphore, #tpu.memory_space<semaphore_mem>>)
      %dma_start3A_16 = arith.constant 0 : i32
      %dma_start3A_17 = tpu.memref_slice %arg2[%add3A_14, %dma_start3A_16] : memref<331776x32xf32, #tpu.memory_space<hbm>> -> memref<128x32xf32, #tpu.memory_space<hbm>>
      %dma_start3A_18 = arith.constant 0 : i32
      %dma_start3A_19 = tpu.memref_slice %arg2[%add3A_14, %dma_start3A_18] : memref<331776x32xf32, #tpu.memory_space<hbm>> -> memref<128x32xf32, #tpu.memory_space<hbm>>
      tpu.enqueue_dma source(%dma_start3A_19 : memref<128x32xf32, #tpu.memory_space<hbm>>) target(%arg7 : memref<128x32xf32, #tpu.memory_space<vmem>>) target_semaphore(%arg10 : memref<!tpu.dma_semaphore, #tpu.memory_space<semaphore_mem>>)
      %dma_wait3A = tpu.memref_slice %arg3[%add3A_14] : memref<331776xi32, #tpu.memory_space<hbm>> -> memref<128xi32, #tpu.memory_space<hbm>>
      %dma_wait3A_20 = tpu.memref_slice %arg3[%add3A_14] : memref<331776xi32, #tpu.memory_space<hbm>> -> memref<128xi32, #tpu.memory_space<hbm>>
      tpu.wait_dma2 semaphore(%arg9 : memref<!tpu.dma_semaphore, #tpu.memory_space<semaphore_mem>>) src(%dma_wait3A_20 : memref<128xi32, #tpu.memory_space<hbm>>) dst(%arg6 : memref<128xi32, #tpu.memory_space<vmem>>)
      %dma_wait3A_21 = arith.constant 0 : i32
      %dma_wait3A_22 = tpu.memref_slice %arg2[%add3A_14, %dma_wait3A_21] : memref<331776x32xf32, #tpu.memory_space<hbm>> -> memref<128x32xf32, #tpu.memory_space<hbm>>
      %dma_wait3A_23 = arith.constant 0 : i32
      %dma_wait3A_24 = tpu.memref_slice %arg2[%add3A_14, %dma_wait3A_23] : memref<331776x32xf32, #tpu.memory_space<hbm>> -> memref<128x32xf32, #tpu.memory_space<hbm>>
      tpu.wait_dma2 semaphore(%arg10 : memref<!tpu.dma_semaphore, #tpu.memory_space<semaphore_mem>>) src(%dma_wait3A_24 : memref<128x32xf32, #tpu.memory_space<hbm>>) dst(%arg7 : memref<128x32xf32, #tpu.memory_space<vmem>>)
      "tpu.region"() ({
        %run_scoped3A = tpu.sem_alloc : memref<!tpu.dma_semaphore, #tpu.memory_space<semaphore_mem>>
        %dma_start3A_25 = arith.constant 0 : i32
        %dma_start3A_26 = arith.constant 0 : i32
        %dma_start3A_27 = tpu.memref_slice %arg8[%dma_start3A_25, %dma_start3A_26] : memref<10240x32xf32, #tpu.memory_space<vmem_shared>> -> memref<10240x32xf32, #tpu.memory_space<vmem_shared>>
        tpu.enqueue_indirect_dma source(%arg7 : memref<128x32xf32, #tpu.memory_space<vmem>>) target(%dma_start3A_27 : memref<10240x32xf32, #tpu.memory_space<vmem_shared>>) offsets(%arg6 : memref<128xi32, #tpu.memory_space<vmem>>) semaphore(%run_scoped3A : memref<!tpu.dma_semaphore, #tpu.memory_space<semaphore_mem>>) {add = true}
        %dma_wait3A_28 = arith.constant 0 : i32
        %dma_wait3A_29 = arith.constant 0 : i32
        %dma_wait3A_30 = tpu.memref_slice %arg8[%dma_wait3A_28, %dma_wait3A_29] : memref<10240x32xf32, #tpu.memory_space<vmem_shared>> -> memref<10240x32xf32, #tpu.memory_space<vmem_shared>>
        tpu.wait_indirect_dma semaphore(%run_scoped3A : memref<!tpu.dma_semaphore, #tpu.memory_space<semaphore_mem>>) src(%arg7 : memref<128x32xf32, #tpu.memory_space<vmem>>) dst(%dma_wait3A_30 : memref<10240x32xf32, #tpu.memory_space<vmem_shared>>)
        tpu.yield
      }) : () -> ()
    }
    %scan3A_9 = arith.constant 81 : i32
    %barrier3A_10 = arith.constant 0 : index
    tpu.barrier barrier_id(%barrier3A_10)
    "tpu.region"() ({
      %run_scoped3A = tpu.sem_alloc : memref<!tpu.dma_semaphore, #tpu.memory_space<semaphore_mem>>
      %dma_start3A = arith.constant 0 : i32
      %dma_start3A_11 = tpu.memref_slice %arg5[%arg0, %mul3A_2, %dma_start3A] : memref<2x10240x32xf32, #tpu.memory_space<hbm>> -> memref<1x640x32xf32, #tpu.memory_space<hbm>>
      %dma_start3A_12 = tpu.memref_squeeze %dma_start3A_11 : memref<1x640x32xf32, #tpu.memory_space<hbm>> -> memref<640x32xf32, #tpu.memory_space<hbm>>
      %dma_start3A_13 = arith.constant 0 : i32
      %dma_start3A_14 = tpu.memref_slice %arg8[%mul3A_2, %dma_start3A_13] : memref<10240x32xf32, #tpu.memory_space<vmem_shared>> -> memref<640x32xf32, #tpu.memory_space<vmem_shared>>
      tpu.enqueue_dma source(%dma_start3A_14 : memref<640x32xf32, #tpu.memory_space<vmem_shared>>) target(%dma_start3A_12 : memref<640x32xf32, #tpu.memory_space<hbm>>) target_semaphore(%run_scoped3A : memref<!tpu.dma_semaphore, #tpu.memory_space<semaphore_mem>>)
      %dma_wait3A = arith.constant 0 : i32
      %dma_wait3A_15 = tpu.memref_slice %arg5[%arg0, %mul3A_2, %dma_wait3A] : memref<2x10240x32xf32, #tpu.memory_space<hbm>> -> memref<1x640x32xf32, #tpu.memory_space<hbm>>
      %dma_wait3A_16 = tpu.memref_squeeze %dma_wait3A_15 : memref<1x640x32xf32, #tpu.memory_space<hbm>> -> memref<640x32xf32, #tpu.memory_space<hbm>>
      %dma_wait3A_17 = arith.constant 0 : i32
      %dma_wait3A_18 = tpu.memref_slice %arg8[%mul3A_2, %dma_wait3A_17] : memref<10240x32xf32, #tpu.memory_space<vmem_shared>> -> memref<640x32xf32, #tpu.memory_space<vmem_shared>>
      tpu.wait_dma2 semaphore(%run_scoped3A : memref<!tpu.dma_semaphore, #tpu.memory_space<semaphore_mem>>) src(%dma_wait3A_18 : memref<640x32xf32, #tpu.memory_space<vmem_shared>>) dst(%dma_wait3A_16 : memref<640x32xf32, #tpu.memory_space<hbm>>)
      tpu.yield
    }) : () -> ()
    return
  }
}

#map = affine_map<(d0, d1) -> (0, 0)>
#map1 = affine_map<(d0, d1) -> (0)>
module attributes {stable_mosaic.version = 14 : i64} {
  func.func @_gather_body(%arg0: i32, %arg1: i32, %arg2: memref<10000x64xf32, #tpu.memory_space<hbm>>, %arg3: memref<10000x64xf32, #tpu.memory_space<hbm>>, %arg4: memref<331776xi32, #tpu.memory_space<hbm>>, %arg5: memref<331776xi32, #tpu.memory_space<hbm>>, %arg6: memref<331776x64xf32, #tpu.memory_space<hbm>>, %arg7: memref<331776x64xf32, #tpu.memory_space<hbm>>, %arg8: memref<128xi32, #tpu.memory_space<vmem>>, %arg9: memref<128xi32, #tpu.memory_space<vmem>>, %arg10: memref<128x64xf32, #tpu.memory_space<vmem>>, %arg11: memref<128x64xf32, #tpu.memory_space<vmem>>, %arg12: memref<!tpu.dma_semaphore, #tpu.memory_space<semaphore_mem>>, %arg13: memref<!tpu.dma_semaphore, #tpu.memory_space<semaphore_mem>>, %arg14: memref<!tpu.dma_semaphore, #tpu.memory_space<semaphore_mem>>, %arg15: memref<!tpu.dma_semaphore, #tpu.memory_space<semaphore_mem>>) attributes {dimension_semantics = [#tpu.dimension_semantics<core_parallel>, #tpu.dimension_semantics<subcore_parallel>], iteration_bounds = array<i64: 2, 16>, scalar_prefetch = 0 : i64, scratch_operands = 8 : i64, tpu.core_type = #tpu.core_type<sc_vector_subcore>, window_params = [{transform_indices = #map}, {transform_indices = #map}, {transform_indices = #map1}, {transform_indices = #map1}, {transform_indices = #map}, {transform_indices = #map}]} {
    %mul3A = arith.constant 2 : i32
    %mul3A_0 = arith.muli %arg1, %mul3A : i32
    %add3A = arith.addi %mul3A_0, %arg0 : i32
    %mul3A_1 = arith.constant 10368 : i32
    %mul3A_2 = arith.muli %add3A, %mul3A_1 : i32
    %scan3A = arith.constant 0 : i32
    %scan3A_3 = arith.constant 0 : i32
    %scan3A_4 = arith.constant 81 : i32
    %scan3A_5 = arith.addi %scan3A_3, %scan3A_4 : i32
    %scan3A_6 = arith.constant 1 : i32
    scf.for %scan3A_8 = %scan3A_3 to %scan3A_5 step %scan3A_6  : i32 {
      %mul3A_9 = arith.constant 128 : i32
      %mul3A_10 = arith.muli %scan3A_8, %mul3A_9 : i32
      %add3A_11 = arith.addi %mul3A_2, %mul3A_10 : i32
      "tpu.region"() ({
        %run_scoped3A = tpu.sem_alloc : memref<!tpu.dma_semaphore, #tpu.memory_space<semaphore_mem>>
        %dma_start3A_38 = tpu.memref_slice %arg4[%add3A_11] : memref<331776xi32, #tpu.memory_space<hbm>> -> memref<128xi32, #tpu.memory_space<hbm>>
        %dma_start3A_39 = tpu.memref_slice %arg4[%add3A_11] : memref<331776xi32, #tpu.memory_space<hbm>> -> memref<128xi32, #tpu.memory_space<hbm>>
        tpu.enqueue_dma source(%dma_start3A_39 : memref<128xi32, #tpu.memory_space<hbm>>) target(%arg8 : memref<128xi32, #tpu.memory_space<vmem>>) target_semaphore(%run_scoped3A : memref<!tpu.dma_semaphore, #tpu.memory_space<semaphore_mem>>)
        %dma_wait3A_40 = tpu.memref_slice %arg4[%add3A_11] : memref<331776xi32, #tpu.memory_space<hbm>> -> memref<128xi32, #tpu.memory_space<hbm>>
        %dma_wait3A_41 = tpu.memref_slice %arg4[%add3A_11] : memref<331776xi32, #tpu.memory_space<hbm>> -> memref<128xi32, #tpu.memory_space<hbm>>
        tpu.wait_dma2 semaphore(%run_scoped3A : memref<!tpu.dma_semaphore, #tpu.memory_space<semaphore_mem>>) src(%dma_wait3A_41 : memref<128xi32, #tpu.memory_space<hbm>>) dst(%arg8 : memref<128xi32, #tpu.memory_space<vmem>>)
        tpu.yield
      }) : () -> ()
      "tpu.region"() ({
        %run_scoped3A = tpu.sem_alloc : memref<!tpu.dma_semaphore, #tpu.memory_space<semaphore_mem>>
        %dma_start3A_38 = tpu.memref_slice %arg5[%add3A_11] : memref<331776xi32, #tpu.memory_space<hbm>> -> memref<128xi32, #tpu.memory_space<hbm>>
        %dma_start3A_39 = tpu.memref_slice %arg5[%add3A_11] : memref<331776xi32, #tpu.memory_space<hbm>> -> memref<128xi32, #tpu.memory_space<hbm>>
        tpu.enqueue_dma source(%dma_start3A_39 : memref<128xi32, #tpu.memory_space<hbm>>) target(%arg9 : memref<128xi32, #tpu.memory_space<vmem>>) target_semaphore(%run_scoped3A : memref<!tpu.dma_semaphore, #tpu.memory_space<semaphore_mem>>)
        %dma_wait3A_40 = tpu.memref_slice %arg5[%add3A_11] : memref<331776xi32, #tpu.memory_space<hbm>> -> memref<128xi32, #tpu.memory_space<hbm>>
        %dma_wait3A_41 = tpu.memref_slice %arg5[%add3A_11] : memref<331776xi32, #tpu.memory_space<hbm>> -> memref<128xi32, #tpu.memory_space<hbm>>
        tpu.wait_dma2 semaphore(%run_scoped3A : memref<!tpu.dma_semaphore, #tpu.memory_space<semaphore_mem>>) src(%dma_wait3A_41 : memref<128xi32, #tpu.memory_space<hbm>>) dst(%arg9 : memref<128xi32, #tpu.memory_space<vmem>>)
        tpu.yield
      }) : () -> ()
      %dma_start3A = arith.constant 0 : i32
      %dma_start3A_12 = arith.constant 0 : i32
      %dma_start3A_13 = tpu.memref_slice %arg2[%dma_start3A, %dma_start3A_12] : memref<10000x64xf32, #tpu.memory_space<hbm>> -> memref<10000x64xf32, #tpu.memory_space<hbm>>
      tpu.enqueue_indirect_dma source(%dma_start3A_13 : memref<10000x64xf32, #tpu.memory_space<hbm>>) target(%arg10 : memref<128x64xf32, #tpu.memory_space<vmem>>) offsets(%arg8 : memref<128xi32, #tpu.memory_space<vmem>>) semaphore(%arg12 : memref<!tpu.dma_semaphore, #tpu.memory_space<semaphore_mem>>)
      %dma_start3A_14 = arith.constant 0 : i32
      %dma_start3A_15 = arith.constant 0 : i32
      %dma_start3A_16 = tpu.memref_slice %arg3[%dma_start3A_14, %dma_start3A_15] : memref<10000x64xf32, #tpu.memory_space<hbm>> -> memref<10000x64xf32, #tpu.memory_space<hbm>>
      tpu.enqueue_indirect_dma source(%dma_start3A_16 : memref<10000x64xf32, #tpu.memory_space<hbm>>) target(%arg11 : memref<128x64xf32, #tpu.memory_space<vmem>>) offsets(%arg9 : memref<128xi32, #tpu.memory_space<vmem>>) semaphore(%arg13 : memref<!tpu.dma_semaphore, #tpu.memory_space<semaphore_mem>>)
      %dma_wait3A = arith.constant 0 : i32
      %dma_wait3A_17 = arith.constant 0 : i32
      %dma_wait3A_18 = tpu.memref_slice %arg2[%dma_wait3A, %dma_wait3A_17] : memref<10000x64xf32, #tpu.memory_space<hbm>> -> memref<10000x64xf32, #tpu.memory_space<hbm>>
      tpu.wait_indirect_dma semaphore(%arg12 : memref<!tpu.dma_semaphore, #tpu.memory_space<semaphore_mem>>) src(%dma_wait3A_18 : memref<10000x64xf32, #tpu.memory_space<hbm>>) dst(%arg10 : memref<128x64xf32, #tpu.memory_space<vmem>>)
      %dma_start3A_19 = arith.constant 0 : i32
      %dma_start3A_20 = tpu.memref_slice %arg6[%add3A_11, %dma_start3A_19] : memref<331776x64xf32, #tpu.memory_space<hbm>> -> memref<128x64xf32, #tpu.memory_space<hbm>>
      %dma_start3A_21 = arith.constant 0 : i32
      %dma_start3A_22 = tpu.memref_slice %arg6[%add3A_11, %dma_start3A_21] : memref<331776x64xf32, #tpu.memory_space<hbm>> -> memref<128x64xf32, #tpu.memory_space<hbm>>
      tpu.enqueue_dma source(%arg10 : memref<128x64xf32, #tpu.memory_space<vmem>>) target(%dma_start3A_22 : memref<128x64xf32, #tpu.memory_space<hbm>>) target_semaphore(%arg14 : memref<!tpu.dma_semaphore, #tpu.memory_space<semaphore_mem>>)
      %dma_wait3A_23 = arith.constant 0 : i32
      %dma_wait3A_24 = arith.constant 0 : i32
      %dma_wait3A_25 = tpu.memref_slice %arg3[%dma_wait3A_23, %dma_wait3A_24] : memref<10000x64xf32, #tpu.memory_space<hbm>> -> memref<10000x64xf32, #tpu.memory_space<hbm>>
      tpu.wait_indirect_dma semaphore(%arg13 : memref<!tpu.dma_semaphore, #tpu.memory_space<semaphore_mem>>) src(%dma_wait3A_25 : memref<10000x64xf32, #tpu.memory_space<hbm>>) dst(%arg11 : memref<128x64xf32, #tpu.memory_space<vmem>>)
      %dma_start3A_26 = arith.constant 0 : i32
      %dma_start3A_27 = tpu.memref_slice %arg7[%add3A_11, %dma_start3A_26] : memref<331776x64xf32, #tpu.memory_space<hbm>> -> memref<128x64xf32, #tpu.memory_space<hbm>>
      %dma_start3A_28 = arith.constant 0 : i32
      %dma_start3A_29 = tpu.memref_slice %arg7[%add3A_11, %dma_start3A_28] : memref<331776x64xf32, #tpu.memory_space<hbm>> -> memref<128x64xf32, #tpu.memory_space<hbm>>
      tpu.enqueue_dma source(%arg11 : memref<128x64xf32, #tpu.memory_space<vmem>>) target(%dma_start3A_29 : memref<128x64xf32, #tpu.memory_space<hbm>>) target_semaphore(%arg15 : memref<!tpu.dma_semaphore, #tpu.memory_space<semaphore_mem>>)
      %dma_wait3A_30 = arith.constant 0 : i32
      %dma_wait3A_31 = tpu.memref_slice %arg6[%add3A_11, %dma_wait3A_30] : memref<331776x64xf32, #tpu.memory_space<hbm>> -> memref<128x64xf32, #tpu.memory_space<hbm>>
      %dma_wait3A_32 = arith.constant 0 : i32
      %dma_wait3A_33 = tpu.memref_slice %arg6[%add3A_11, %dma_wait3A_32] : memref<331776x64xf32, #tpu.memory_space<hbm>> -> memref<128x64xf32, #tpu.memory_space<hbm>>
      tpu.wait_dma2 semaphore(%arg14 : memref<!tpu.dma_semaphore, #tpu.memory_space<semaphore_mem>>) src(%arg10 : memref<128x64xf32, #tpu.memory_space<vmem>>) dst(%dma_wait3A_33 : memref<128x64xf32, #tpu.memory_space<hbm>>)
      %dma_wait3A_34 = arith.constant 0 : i32
      %dma_wait3A_35 = tpu.memref_slice %arg7[%add3A_11, %dma_wait3A_34] : memref<331776x64xf32, #tpu.memory_space<hbm>> -> memref<128x64xf32, #tpu.memory_space<hbm>>
      %dma_wait3A_36 = arith.constant 0 : i32
      %dma_wait3A_37 = tpu.memref_slice %arg7[%add3A_11, %dma_wait3A_36] : memref<331776x64xf32, #tpu.memory_space<hbm>> -> memref<128x64xf32, #tpu.memory_space<hbm>>
      tpu.wait_dma2 semaphore(%arg15 : memref<!tpu.dma_semaphore, #tpu.memory_space<semaphore_mem>>) src(%arg11 : memref<128x64xf32, #tpu.memory_space<vmem>>) dst(%dma_wait3A_37 : memref<128x64xf32, #tpu.memory_space<hbm>>)
    }
    %scan3A_7 = arith.constant 81 : i32
    return
  }
}

#map = affine_map<(d0, d1) -> (0, 0)>
#map1 = affine_map<(d0, d1) -> (0)>
#map2 = affine_map<(d0, d1) -> (0, 0, 0)>
module attributes {stable_mosaic.version = 14 : i64} {
  func.func @_scatter_body(%arg0: i32, %arg1: i32, %arg2: memref<331776x80xf32, #tpu.memory_space<hbm>>, %arg3: memref<331776xi32, #tpu.memory_space<hbm>>, %arg4: memref<10240x80xf32, #tpu.memory_space<hbm>>, %arg5: memref<2x10240x80xf32, #tpu.memory_space<hbm>>, %arg6: memref<128xi32, #tpu.memory_space<vmem>>, %arg7: memref<128x80xf32, #tpu.memory_space<vmem>>, %arg8: memref<10240x80xf32, #tpu.memory_space<vmem_shared>>, %arg9: memref<!tpu.dma_semaphore, #tpu.memory_space<semaphore_mem>>, %arg10: memref<!tpu.dma_semaphore, #tpu.memory_space<semaphore_mem>>) attributes {dimension_semantics = [#tpu.dimension_semantics<core_parallel>, #tpu.dimension_semantics<subcore_parallel>], iteration_bounds = array<i64: 2, 16>, scalar_prefetch = 0 : i64, scratch_operands = 5 : i64, tpu.core_type = #tpu.core_type<sc_vector_subcore>, window_params = [{transform_indices = #map}, {transform_indices = #map1}, {transform_indices = #map}, {transform_indices = #map2}]} {
    %mul3A = arith.constant 2 : i32
    %mul3A_0 = arith.muli %arg1, %mul3A : i32
    %add3A = arith.addi %mul3A_0, %arg0 : i32
    %mul3A_1 = arith.constant 640 : i32
    %mul3A_2 = arith.muli %arg1, %mul3A_1 : i32
    "tpu.region"() ({
      %run_scoped3A = tpu.sem_alloc : memref<!tpu.dma_semaphore, #tpu.memory_space<semaphore_mem>>
      %dma_start3A = arith.constant 0 : i32
      %dma_start3A_11 = tpu.memref_slice %arg8[%mul3A_2, %dma_start3A] : memref<10240x80xf32, #tpu.memory_space<vmem_shared>> -> memref<640x80xf32, #tpu.memory_space<vmem_shared>>
      %dma_start3A_12 = arith.constant 0 : i32
      %dma_start3A_13 = tpu.memref_slice %arg4[%mul3A_2, %dma_start3A_12] : memref<10240x80xf32, #tpu.memory_space<hbm>> -> memref<640x80xf32, #tpu.memory_space<hbm>>
      tpu.enqueue_dma source(%dma_start3A_13 : memref<640x80xf32, #tpu.memory_space<hbm>>) target(%dma_start3A_11 : memref<640x80xf32, #tpu.memory_space<vmem_shared>>) target_semaphore(%run_scoped3A : memref<!tpu.dma_semaphore, #tpu.memory_space<semaphore_mem>>)
      %dma_wait3A = arith.constant 0 : i32
      %dma_wait3A_14 = tpu.memref_slice %arg8[%mul3A_2, %dma_wait3A] : memref<10240x80xf32, #tpu.memory_space<vmem_shared>> -> memref<640x80xf32, #tpu.memory_space<vmem_shared>>
      %dma_wait3A_15 = arith.constant 0 : i32
      %dma_wait3A_16 = tpu.memref_slice %arg4[%mul3A_2, %dma_wait3A_15] : memref<10240x80xf32, #tpu.memory_space<hbm>> -> memref<640x80xf32, #tpu.memory_space<hbm>>
      tpu.wait_dma2 semaphore(%run_scoped3A : memref<!tpu.dma_semaphore, #tpu.memory_space<semaphore_mem>>) src(%dma_wait3A_16 : memref<640x80xf32, #tpu.memory_space<hbm>>) dst(%dma_wait3A_14 : memref<640x80xf32, #tpu.memory_space<vmem_shared>>)
      tpu.yield
    }) : () -> ()
    %barrier3A = arith.constant 0 : index
    tpu.barrier barrier_id(%barrier3A)
    %mul3A_3 = arith.constant 10368 : i32
    %mul3A_4 = arith.muli %add3A, %mul3A_3 : i32
    %scan3A = arith.constant 0 : i32
    %scan3A_5 = arith.constant 0 : i32
    %scan3A_6 = arith.constant 81 : i32
    %scan3A_7 = arith.addi %scan3A_5, %scan3A_6 : i32
    %scan3A_8 = arith.constant 1 : i32
    scf.for %scan3A_11 = %scan3A_5 to %scan3A_7 step %scan3A_8  : i32 {
      %mul3A_12 = arith.constant 128 : i32
      %mul3A_13 = arith.muli %scan3A_11, %mul3A_12 : i32
      %add3A_14 = arith.addi %mul3A_4, %mul3A_13 : i32
      %dma_start3A = tpu.memref_slice %arg3[%add3A_14] : memref<331776xi32, #tpu.memory_space<hbm>> -> memref<128xi32, #tpu.memory_space<hbm>>
      %dma_start3A_15 = tpu.memref_slice %arg3[%add3A_14] : memref<331776xi32, #tpu.memory_space<hbm>> -> memref<128xi32, #tpu.memory_space<hbm>>
      tpu.enqueue_dma source(%dma_start3A_15 : memref<128xi32, #tpu.memory_space<hbm>>) target(%arg6 : memref<128xi32, #tpu.memory_space<vmem>>) target_semaphore(%arg9 : memref<!tpu.dma_semaphore, #tpu.memory_space<semaphore_mem>>)
      %dma_start3A_16 = arith.constant 0 : i32
      %dma_start3A_17 = tpu.memref_slice %arg2[%add3A_14, %dma_start3A_16] : memref<331776x80xf32, #tpu.memory_space<hbm>> -> memref<128x80xf32, #tpu.memory_space<hbm>>
      %dma_start3A_18 = arith.constant 0 : i32
      %dma_start3A_19 = tpu.memref_slice %arg2[%add3A_14, %dma_start3A_18] : memref<331776x80xf32, #tpu.memory_space<hbm>> -> memref<128x80xf32, #tpu.memory_space<hbm>>
      tpu.enqueue_dma source(%dma_start3A_19 : memref<128x80xf32, #tpu.memory_space<hbm>>) target(%arg7 : memref<128x80xf32, #tpu.memory_space<vmem>>) target_semaphore(%arg10 : memref<!tpu.dma_semaphore, #tpu.memory_space<semaphore_mem>>)
      %dma_wait3A = tpu.memref_slice %arg3[%add3A_14] : memref<331776xi32, #tpu.memory_space<hbm>> -> memref<128xi32, #tpu.memory_space<hbm>>
      %dma_wait3A_20 = tpu.memref_slice %arg3[%add3A_14] : memref<331776xi32, #tpu.memory_space<hbm>> -> memref<128xi32, #tpu.memory_space<hbm>>
      tpu.wait_dma2 semaphore(%arg9 : memref<!tpu.dma_semaphore, #tpu.memory_space<semaphore_mem>>) src(%dma_wait3A_20 : memref<128xi32, #tpu.memory_space<hbm>>) dst(%arg6 : memref<128xi32, #tpu.memory_space<vmem>>)
      %dma_wait3A_21 = arith.constant 0 : i32
      %dma_wait3A_22 = tpu.memref_slice %arg2[%add3A_14, %dma_wait3A_21] : memref<331776x80xf32, #tpu.memory_space<hbm>> -> memref<128x80xf32, #tpu.memory_space<hbm>>
      %dma_wait3A_23 = arith.constant 0 : i32
      %dma_wait3A_24 = tpu.memref_slice %arg2[%add3A_14, %dma_wait3A_23] : memref<331776x80xf32, #tpu.memory_space<hbm>> -> memref<128x80xf32, #tpu.memory_space<hbm>>
      tpu.wait_dma2 semaphore(%arg10 : memref<!tpu.dma_semaphore, #tpu.memory_space<semaphore_mem>>) src(%dma_wait3A_24 : memref<128x80xf32, #tpu.memory_space<hbm>>) dst(%arg7 : memref<128x80xf32, #tpu.memory_space<vmem>>)
      "tpu.region"() ({
        %run_scoped3A = tpu.sem_alloc : memref<!tpu.dma_semaphore, #tpu.memory_space<semaphore_mem>>
        %dma_start3A_25 = arith.constant 0 : i32
        %dma_start3A_26 = arith.constant 0 : i32
        %dma_start3A_27 = tpu.memref_slice %arg8[%dma_start3A_25, %dma_start3A_26] : memref<10240x80xf32, #tpu.memory_space<vmem_shared>> -> memref<10240x80xf32, #tpu.memory_space<vmem_shared>>
        tpu.enqueue_indirect_dma source(%arg7 : memref<128x80xf32, #tpu.memory_space<vmem>>) target(%dma_start3A_27 : memref<10240x80xf32, #tpu.memory_space<vmem_shared>>) offsets(%arg6 : memref<128xi32, #tpu.memory_space<vmem>>) semaphore(%run_scoped3A : memref<!tpu.dma_semaphore, #tpu.memory_space<semaphore_mem>>) {add = true}
        %dma_wait3A_28 = arith.constant 0 : i32
        %dma_wait3A_29 = arith.constant 0 : i32
        %dma_wait3A_30 = tpu.memref_slice %arg8[%dma_wait3A_28, %dma_wait3A_29] : memref<10240x80xf32, #tpu.memory_space<vmem_shared>> -> memref<10240x80xf32, #tpu.memory_space<vmem_shared>>
        tpu.wait_indirect_dma semaphore(%run_scoped3A : memref<!tpu.dma_semaphore, #tpu.memory_space<semaphore_mem>>) src(%arg7 : memref<128x80xf32, #tpu.memory_space<vmem>>) dst(%dma_wait3A_30 : memref<10240x80xf32, #tpu.memory_space<vmem_shared>>)
        tpu.yield
      }) : () -> ()
    }
    %scan3A_9 = arith.constant 81 : i32
    %barrier3A_10 = arith.constant 0 : index
    tpu.barrier barrier_id(%barrier3A_10)
    "tpu.region"() ({
      %run_scoped3A = tpu.sem_alloc : memref<!tpu.dma_semaphore, #tpu.memory_space<semaphore_mem>>
      %dma_start3A = arith.constant 0 : i32
      %dma_start3A_11 = tpu.memref_slice %arg5[%arg0, %mul3A_2, %dma_start3A] : memref<2x10240x80xf32, #tpu.memory_space<hbm>> -> memref<1x640x80xf32, #tpu.memory_space<hbm>>
      %dma_start3A_12 = tpu.memref_squeeze %dma_start3A_11 : memref<1x640x80xf32, #tpu.memory_space<hbm>> -> memref<640x80xf32, #tpu.memory_space<hbm>>
      %dma_start3A_13 = arith.constant 0 : i32
      %dma_start3A_14 = tpu.memref_slice %arg8[%mul3A_2, %dma_start3A_13] : memref<10240x80xf32, #tpu.memory_space<vmem_shared>> -> memref<640x80xf32, #tpu.memory_space<vmem_shared>>
      tpu.enqueue_dma source(%dma_start3A_14 : memref<640x80xf32, #tpu.memory_space<vmem_shared>>) target(%dma_start3A_12 : memref<640x80xf32, #tpu.memory_space<hbm>>) target_semaphore(%run_scoped3A : memref<!tpu.dma_semaphore, #tpu.memory_space<semaphore_mem>>)
      %dma_wait3A = arith.constant 0 : i32
      %dma_wait3A_15 = tpu.memref_slice %arg5[%arg0, %mul3A_2, %dma_wait3A] : memref<2x10240x80xf32, #tpu.memory_space<hbm>> -> memref<1x640x80xf32, #tpu.memory_space<hbm>>
      %dma_wait3A_16 = tpu.memref_squeeze %dma_wait3A_15 : memref<1x640x80xf32, #tpu.memory_space<hbm>> -> memref<640x80xf32, #tpu.memory_space<hbm>>
      %dma_wait3A_17 = arith.constant 0 : i32
      %dma_wait3A_18 = tpu.memref_slice %arg8[%mul3A_2, %dma_wait3A_17] : memref<10240x80xf32, #tpu.memory_space<vmem_shared>> -> memref<640x80xf32, #tpu.memory_space<vmem_shared>>
      tpu.wait_dma2 semaphore(%run_scoped3A : memref<!tpu.dma_semaphore, #tpu.memory_space<semaphore_mem>>) src(%dma_wait3A_18 : memref<640x80xf32, #tpu.memory_space<vmem_shared>>) dst(%dma_wait3A_16 : memref<640x80xf32, #tpu.memory_space<hbm>>)
      tpu.yield
    }) : () -> ()
    return
  }
}

module attributes {stable_mosaic.version = 14 : i64} {
  func.func @_mm2_body(%arg0: memref<10000x128xf32, #tpu.memory_space<vmem>>, %arg1: memref<64x128xf32, #tpu.memory_space<vmem>>, %arg2: memref<64x128xf32, #tpu.memory_space<vmem>>, %arg3: memref<10000x64xf32, #tpu.memory_space<vmem>>, %arg4: memref<10000x64xf32, #tpu.memory_space<vmem>>) attributes {dimension_semantics = [], scalar_prefetch = 0 : i64, scratch_operands = 0 : i64, tpu.core_type = #tpu.core_type<tc>} {
    %get3A = arith.constant 0 : index
    %get3A_0 = arith.constant 0 : index
    %get3A_1 = vector.load %arg0[%get3A, %get3A_0] : memref<10000x128xf32, #tpu.memory_space<vmem>>, vector<10000x128xf32>
    %get3A_2 = arith.constant 0 : index
    %get3A_3 = arith.constant 0 : index
    %get3A_4 = vector.load %arg1[%get3A_2, %get3A_3] : memref<64x128xf32, #tpu.memory_space<vmem>>, vector<64x128xf32>
    %dot_general3A = arith.constant dense<0.000000e+00> : vector<10000x64xf32>
    %dot_general3A_5 = tpu.matmul %get3A_1, %get3A_4, %dot_general3A {dimension_numbers = #tpu.dot_dimension_numbers<[1], [1], [0], [0], [0, 0, 1, 0], [], []>, transpose_lhs_hint = false} : vector<10000x128xf32>, vector<64x128xf32>, vector<10000x64xf32> -> vector<10000x64xf32>
    %swap3A = arith.constant 0 : index
    %swap3A_6 = arith.constant 0 : index
    %swap3A_7 = vector.load %arg3[%swap3A, %swap3A_6] : memref<10000x64xf32, #tpu.memory_space<vmem>>, vector<10000x64xf32>
    tpu.vector_store %arg3[%swap3A, %swap3A_6], %dot_general3A_5 {strides = array<i32>} : memref<10000x64xf32, #tpu.memory_space<vmem>>, vector<10000x64xf32>,
    %get3A_8 = arith.constant 0 : index
    %get3A_9 = arith.constant 0 : index
    %get3A_10 = vector.load %arg2[%get3A_8, %get3A_9] : memref<64x128xf32, #tpu.memory_space<vmem>>, vector<64x128xf32>
    %dot_general3A_11 = arith.constant dense<0.000000e+00> : vector<10000x64xf32>
    %dot_general3A_12 = tpu.matmul %get3A_1, %get3A_10, %dot_general3A_11 {dimension_numbers = #tpu.dot_dimension_numbers<[1], [1], [0], [0], [0, 0, 1, 0], [], []>, transpose_lhs_hint = false} : vector<10000x128xf32>, vector<64x128xf32>, vector<10000x64xf32> -> vector<10000x64xf32>
    %swap3A_13 = arith.constant 0 : index
    %swap3A_14 = arith.constant 0 : index
    %swap3A_15 = vector.load %arg4[%swap3A_13, %swap3A_14] : memref<10000x64xf32, #tpu.memory_space<vmem>>, vector<10000x64xf32>
    tpu.vector_store %arg4[%swap3A_13, %swap3A_14], %dot_general3A_12 {strides = array<i32>} : memref<10000x64xf32, #tpu.memory_space<vmem>>, vector<10000x64xf32>,
    return
  }
}

module attributes {stable_mosaic.version = 14 : i64} {
  func.func @_edge_math_body(%arg0: i32, %arg1: memref<4096x64xf32, #tpu.memory_space<vmem>>, %arg2: memref<4096x64xf32, #tpu.memory_space<vmem>>, %arg3: memref<1x64xf32, #tpu.memory_space<vmem>>, %arg4: memref<64x8xf32, #tpu.memory_space<vmem>>, %arg5: memref<8x64xf32, #tpu.memory_space<vmem>>, %arg6: memref<4096x80xf32, #tpu.memory_space<vmem>>) attributes {dimension_semantics = [#tpu.dimension_semantics<arbitrary>], iteration_bounds = array<i64: 81>, scalar_prefetch = 0 : i64, scratch_operands = 0 : i64, tpu.core_type = #tpu.core_type<tc>, window_params = [{transform_indices = @transform_0, window_bounds = array<i64: 4096, 64>}, {transform_indices = @transform_1, window_bounds = array<i64: 4096, 64>}, {pipeline_mode = #tpu.pipeline_mode<synchronous>, transform_indices = @transform_2, window_bounds = array<i64: 1, 64>}, {pipeline_mode = #tpu.pipeline_mode<synchronous>, transform_indices = @transform_3, window_bounds = array<i64: 64, 8>}, {pipeline_mode = #tpu.pipeline_mode<synchronous>, transform_indices = @transform_4, window_bounds = array<i64: 8, 64>}, {transform_indices = @transform_5, window_bounds = array<i64: 4096, 80>}]} {
    %get3A = arith.constant 0 : index
    %get3A_0 = arith.constant 0 : index
    %get3A_1 = vector.load %arg1[%get3A, %get3A_0] : memref<4096x64xf32, #tpu.memory_space<vmem>>, vector<4096x64xf32>
    %get3A_2 = arith.constant 0 : index
    %get3A_3 = arith.constant 0 : index
    %get3A_4 = vector.load %arg2[%get3A_2, %get3A_3] : memref<4096x64xf32, #tpu.memory_space<vmem>>, vector<4096x64xf32>
    %add3A = arith.addf %get3A_1, %get3A_4 : vector<4096x64xf32>
    %mul3A = arith.constant 2.000000e-01 : f32
    %mul3A_5 = vector.broadcast %mul3A : f32 to vector<4096x64xf32>
    %mul3A_6 = arith.mulf %mul3A_5, %add3A : vector<4096x64xf32>
    %max3A = arith.maximumf %add3A, %mul3A_6 : vector<4096x64xf32>
    %get3A_7 = arith.constant 0 : index
    %get3A_8 = arith.constant 0 : index
    %get3A_9 = vector.load %arg3[%get3A_7, %get3A_8] : memref<1x64xf32, #tpu.memory_space<vmem>>, vector<1x64xf32>
    %mul3A_10 = vector.broadcast %get3A_9 : vector<1x64xf32> to vector<4096x64xf32>
    %mul3A_11 = arith.mulf %max3A, %mul3A_10 : vector<4096x64xf32>
    %get3A_12 = arith.constant 0 : index
    %get3A_13 = arith.constant 0 : index
    %get3A_14 = vector.load %arg4[%get3A_12, %get3A_13] : memref<64x8xf32, #tpu.memory_space<vmem>>, vector<64x8xf32>
    %dot_general3A = arith.constant dense<0.000000e+00> : vector<4096x8xf32>
    %dot_general3A_15 = tpu.matmul %mul3A_11, %get3A_14, %dot_general3A {dimension_numbers = #tpu.dot_dimension_numbers<[1], [0], [0], [1], [0, 0, 1, 1], [], []>, transpose_lhs_hint = false} : vector<4096x64xf32>, vector<64x8xf32>, vector<4096x8xf32> -> vector<4096x8xf32>
    %exp3A = math.exp %dot_general3A_15 : vector<4096x8xf32>
    %get3A_16 = arith.constant 0 : index
    %get3A_17 = arith.constant 0 : index
    %get3A_18 = vector.load %arg5[%get3A_16, %get3A_17] : memref<8x64xf32, #tpu.memory_space<vmem>>, vector<8x64xf32>
    %dot_general3A_19 = arith.constant dense<0.000000e+00> : vector<4096x64xf32>
    %dot_general3A_20 = tpu.matmul %exp3A, %get3A_18, %dot_general3A_19 {dimension_numbers = #tpu.dot_dimension_numbers<[1], [0], [0], [1], [0, 0, 1, 1], [], []>, transpose_lhs_hint = false} : vector<4096x8xf32>, vector<8x64xf32>, vector<4096x64xf32> -> vector<4096x64xf32>
    %mul3A_21 = arith.mulf %get3A_1, %dot_general3A_20 : vector<4096x64xf32>
    %broadcast_in_dim3A = arith.constant 0.000000e+00 : f32
    %broadcast_in_dim3A_22 = vector.broadcast %broadcast_in_dim3A : f32 to vector<4096x8xf32>
    %concatenate3A = tpu.concatenate %mul3A_21, %exp3A, %broadcast_in_dim3A_22 in 1 : vector<4096x64xf32>, vector<4096x8xf32>, vector<4096x8xf32> -> vector<4096x80xf32>
    %swap3A = arith.constant 0 : index
    %swap3A_23 = arith.constant 0 : index
    %swap3A_24 = vector.load %arg6[%swap3A, %swap3A_23] : memref<4096x80xf32, #tpu.memory_space<vmem>>, vector<4096x80xf32>
    tpu.vector_store %arg6[%swap3A, %swap3A_23], %concatenate3A {strides = array<i32>} : memref<4096x80xf32, #tpu.memory_space<vmem>>, vector<4096x80xf32>,
    return
  }
  func.func @transform_0(%arg0: i32) -> (i32, i32) {
    %c0_i32 = arith.constant 0 : i32
    %c0_i32_0 = arith.constant 0 : i32
    return %arg0, %c0_i32 : i32, i32
  }
  func.func @transform_1(%arg0: i32) -> (i32, i32) {
    %c0_i32 = arith.constant 0 : i32
    %c0_i32_0 = arith.constant 0 : i32
    return %arg0, %c0_i32 : i32, i32
  }
  func.func @transform_2(%arg0: i32) -> (i32, i32) {
    %c0_i32 = arith.constant 0 : i32
    %c0_i32_0 = arith.constant 0 : i32
    %c0_i32_1 = arith.constant 0 : i32
    return %c0_i32, %c0_i32_0 : i32, i32
  }
  func.func @transform_3(%arg0: i32) -> (i32, i32) {
    %c0_i32 = arith.constant 0 : i32
    %c0_i32_0 = arith.constant 0 : i32
    %c0_i32_1 = arith.constant 0 : i32
    return %c0_i32, %c0_i32_0 : i32, i32
  }
  func.func @transform_4(%arg0: i32) -> (i32, i32) {
    %c0_i32 = arith.constant 0 : i32
    %c0_i32_0 = arith.constant 0 : i32
    %c0_i32_1 = arith.constant 0 : i32
    return %c0_i32, %c0_i32_0 : i32, i32
  }
  func.func @transform_5(%arg0: i32) -> (i32, i32) {
    %c0_i32 = arith.constant 0 : i32
    %c0_i32_0 = arith.constant 0 : i32
    return %arg0, %c0_i32 : i32, i32
  }
}

module attributes {stable_mosaic.version = 14 : i64} {
  func.func @_k2_body(%arg0: memref<2x10240x80xf32, #tpu.memory_space<vmem>>, %arg1: memref<16x64xf32, #tpu.memory_space<vmem>>, %arg2: memref<16x64xf32, #tpu.memory_space<vmem>>, %arg3: memref<64xf32, #tpu.memory_space<vmem>>, %arg4: memref<8x64xf32, #tpu.memory_space<vmem>>, %arg5: memref<10240x16xf32, #tpu.memory_space<vmem>>, %arg6: memref<10240x16xf32, #tpu.memory_space<vmem>>) attributes {dimension_semantics = [], scalar_prefetch = 0 : i64, scratch_operands = 0 : i64, tpu.core_type = #tpu.core_type<tc>} {
    %get3A = arith.constant 0 : index
    %get3A_0 = arith.constant 0 : index
    %get3A_1 = arith.constant 0 : index
    %get3A_2 = vector.load %arg0[%get3A, %get3A_0, %get3A_1] : memref<2x10240x80xf32, #tpu.memory_space<vmem>>, vector<1x10240x80xf32>
    %get3A_3 = vector.shape_cast %get3A_2 : vector<1x10240x80xf32> to vector<10240x80xf32>
    %get3A_4 = arith.constant 1 : index
    %get3A_5 = arith.constant 0 : index
    %get3A_6 = arith.constant 0 : index
    %get3A_7 = vector.load %arg0[%get3A_4, %get3A_5, %get3A_6] : memref<2x10240x80xf32, #tpu.memory_space<vmem>>, vector<1x10240x80xf32>
    %get3A_8 = vector.shape_cast %get3A_7 : vector<1x10240x80xf32> to vector<10240x80xf32>
    %slice3A = vector.extract_strided_slice %get3A_3 {offsets = [0, 0], sizes = [10240, 64], strides = [1, 1]} : vector<10240x80xf32> to vector<10240x64xf32>
    %slice3A_9 = vector.extract_strided_slice %get3A_8 {offsets = [0, 0], sizes = [10240, 64], strides = [1, 1]} : vector<10240x80xf32> to vector<10240x64xf32>
    %add3A = arith.addf %slice3A, %slice3A_9 : vector<10240x64xf32>
    %slice3A_10 = vector.extract_strided_slice %get3A_3 {offsets = [0, 64], sizes = [10240, 8], strides = [1, 1]} : vector<10240x80xf32> to vector<10240x8xf32>
    %slice3A_11 = vector.extract_strided_slice %get3A_8 {offsets = [0, 64], sizes = [10240, 8], strides = [1, 1]} : vector<10240x80xf32> to vector<10240x8xf32>
    %add3A_12 = arith.addf %slice3A_10, %slice3A_11 : vector<10240x8xf32>
    %get3A_13 = arith.constant 0 : index
    %get3A_14 = arith.constant 0 : index
    %get3A_15 = vector.load %arg4[%get3A_13, %get3A_14] : memref<8x64xf32, #tpu.memory_space<vmem>>, vector<8x64xf32>
    %dot_general3A = arith.constant dense<0.000000e+00> : vector<10240x64xf32>
    %dot_general3A_16 = tpu.matmul %add3A_12, %get3A_15, %dot_general3A {dimension_numbers = #tpu.dot_dimension_numbers<[1], [0], [0], [1], [0, 0, 1, 1], [], []>, transpose_lhs_hint = false} : vector<10240x8xf32>, vector<8x64xf32>, vector<10240x64xf32> -> vector<10240x64xf32>
    %add3A_17 = arith.constant 1.000000e-16 : f32
    %add3A_18 = vector.broadcast %add3A_17 : f32 to vector<10240x64xf32>
    %add3A_19 = arith.addf %dot_general3A_16, %add3A_18 : vector<10240x64xf32>
    %div3A = arith.divf %add3A, %add3A_19 : vector<10240x64xf32>
    %get3A_20 = arith.constant 0 : index
    %get3A_21 = vector.load %arg3[%get3A_20] : memref<64xf32, #tpu.memory_space<vmem>>, vector<64xf32>
    %broadcast_in_dim3A = vector.shape_cast %get3A_21 : vector<64xf32> to vector<1x64xf32>
    %add3A_22 = vector.broadcast %broadcast_in_dim3A : vector<1x64xf32> to vector<10240x64xf32>
    %add3A_23 = arith.addf %div3A, %add3A_22 : vector<10240x64xf32>
    %gt3A = arith.constant 0.000000e+00 : f32
    %gt3A_24 = vector.broadcast %gt3A : f32 to vector<10240x64xf32>
    %gt3A_25 = arith.cmpf ogt, %add3A_23, %gt3A_24 : vector<10240x64xf32>
    %exp3A = math.exp %add3A_23 : vector<10240x64xf32>
    %sub3A = arith.constant 1.000000e+00 : f32
    %sub3A_26 = vector.broadcast %sub3A : f32 to vector<10240x64xf32>
    %sub3A_27 = arith.subf %exp3A, %sub3A_26 : vector<10240x64xf32>
    %select_n3A = arith.select %gt3A_25, %add3A_23, %sub3A_27 : vector<10240x64xi1>, vector<10240x64xf32>
    %get3A_28 = arith.constant 0 : index
    %get3A_29 = arith.constant 0 : index
    %get3A_30 = vector.load %arg1[%get3A_28, %get3A_29] : memref<16x64xf32, #tpu.memory_space<vmem>>, vector<16x64xf32>
    %dot_general3A_31 = arith.constant dense<0.000000e+00> : vector<10240x16xf32>
    %dot_general3A_32 = tpu.matmul %select_n3A, %get3A_30, %dot_general3A_31 {dimension_numbers = #tpu.dot_dimension_numbers<[1], [1], [0], [0], [0, 0, 1, 0], [], []>, transpose_lhs_hint = false} : vector<10240x64xf32>, vector<16x64xf32>, vector<10240x16xf32> -> vector<10240x16xf32>
    %swap3A = arith.constant 0 : index
    %swap3A_33 = arith.constant 0 : index
    %swap3A_34 = vector.load %arg5[%swap3A, %swap3A_33] : memref<10240x16xf32, #tpu.memory_space<vmem>>, vector<10240x16xf32>
    tpu.vector_store %arg5[%swap3A, %swap3A_33], %dot_general3A_32 {strides = array<i32>} : memref<10240x16xf32, #tpu.memory_space<vmem>>, vector<10240x16xf32>,
    %get3A_35 = arith.constant 0 : index
    %get3A_36 = arith.constant 0 : index
    %get3A_37 = vector.load %arg2[%get3A_35, %get3A_36] : memref<16x64xf32, #tpu.memory_space<vmem>>, vector<16x64xf32>
    %dot_general3A_38 = arith.constant dense<0.000000e+00> : vector<10240x16xf32>
    %dot_general3A_39 = tpu.matmul %select_n3A, %get3A_37, %dot_general3A_38 {dimension_numbers = #tpu.dot_dimension_numbers<[1], [1], [0], [0], [0, 0, 1, 0], [], []>, transpose_lhs_hint = false} : vector<10240x64xf32>, vector<16x64xf32>, vector<10240x16xf32> -> vector<10240x16xf32>
    %swap3A_40 = arith.constant 0 : index
    %swap3A_41 = arith.constant 0 : index
    %swap3A_42 = vector.load %arg6[%swap3A_40, %swap3A_41] : memref<10240x16xf32, #tpu.memory_space<vmem>>, vector<10240x16xf32>
    tpu.vector_store %arg6[%swap3A_40, %swap3A_41], %dot_general3A_39 {strides = array<i32>} : memref<10240x16xf32, #tpu.memory_space<vmem>>, vector<10240x16xf32>,
    return
  }
}

module attributes {stable_mosaic.version = 14 : i64} {
  func.func @_edge_math_body(%arg0: i32, %arg1: memref<4096x16xf32, #tpu.memory_space<vmem>>, %arg2: memref<4096x16xf32, #tpu.memory_space<vmem>>, %arg3: memref<1x16xf32, #tpu.memory_space<vmem>>, %arg4: memref<16x1xf32, #tpu.memory_space<vmem>>, %arg5: memref<1x16xf32, #tpu.memory_space<vmem>>, %arg6: memref<4096x32xf32, #tpu.memory_space<vmem>>) attributes {dimension_semantics = [#tpu.dimension_semantics<arbitrary>], iteration_bounds = array<i64: 81>, scalar_prefetch = 0 : i64, scratch_operands = 0 : i64, tpu.core_type = #tpu.core_type<tc>, window_params = [{transform_indices = @transform_0, window_bounds = array<i64: 4096, 16>}, {transform_indices = @transform_1, window_bounds = array<i64: 4096, 16>}, {pipeline_mode = #tpu.pipeline_mode<synchronous>, transform_indices = @transform_2, window_bounds = array<i64: 1, 16>}, {pipeline_mode = #tpu.pipeline_mode<synchronous>, transform_indices = @transform_3, window_bounds = array<i64: 16, 1>}, {pipeline_mode = #tpu.pipeline_mode<synchronous>, transform_indices = @transform_4, window_bounds = array<i64: 1, 16>}, {transform_indices = @transform_5, window_bounds = array<i64: 4096, 32>}]} {
    %get3A = arith.constant 0 : index
    %get3A_0 = arith.constant 0 : index
    %get3A_1 = vector.load %arg1[%get3A, %get3A_0] : memref<4096x16xf32, #tpu.memory_space<vmem>>, vector<4096x16xf32>
    %get3A_2 = arith.constant 0 : index
    %get3A_3 = arith.constant 0 : index
    %get3A_4 = vector.load %arg2[%get3A_2, %get3A_3] : memref<4096x16xf32, #tpu.memory_space<vmem>>, vector<4096x16xf32>
    %add3A = arith.addf %get3A_1, %get3A_4 : vector<4096x16xf32>
    %mul3A = arith.constant 2.000000e-01 : f32
    %mul3A_5 = vector.broadcast %mul3A : f32 to vector<4096x16xf32>
    %mul3A_6 = arith.mulf %mul3A_5, %add3A : vector<4096x16xf32>
    %max3A = arith.maximumf %add3A, %mul3A_6 : vector<4096x16xf32>
    %get3A_7 = arith.constant 0 : index
    %get3A_8 = arith.constant 0 : index
    %get3A_9 = vector.load %arg3[%get3A_7, %get3A_8] : memref<1x16xf32, #tpu.memory_space<vmem>>, vector<1x16xf32>
    %mul3A_10 = vector.broadcast %get3A_9 : vector<1x16xf32> to vector<4096x16xf32>
    %mul3A_11 = arith.mulf %max3A, %mul3A_10 : vector<4096x16xf32>
    %get3A_12 = arith.constant 0 : index
    %get3A_13 = arith.constant 0 : index
    %get3A_14 = vector.load %arg4[%get3A_12, %get3A_13] : memref<16x1xf32, #tpu.memory_space<vmem>>, vector<16x1xf32>
    %dot_general3A = arith.constant dense<0.000000e+00> : vector<4096x1xf32>
    %dot_general3A_15 = tpu.matmul %mul3A_11, %get3A_14, %dot_general3A {dimension_numbers = #tpu.dot_dimension_numbers<[1], [0], [0], [1], [0, 0, 1, 1], [], []>, transpose_lhs_hint = false} : vector<4096x16xf32>, vector<16x1xf32>, vector<4096x1xf32> -> vector<4096x1xf32>
    %exp3A = math.exp %dot_general3A_15 : vector<4096x1xf32>
    %get3A_16 = arith.constant 0 : index
    %get3A_17 = arith.constant 0 : index
    %get3A_18 = vector.load %arg5[%get3A_16, %get3A_17] : memref<1x16xf32, #tpu.memory_space<vmem>>, vector<1x16xf32>
    %dot_general3A_19 = arith.constant dense<0.000000e+00> : vector<4096x16xf32>
    %dot_general3A_20 = tpu.matmul %exp3A, %get3A_18, %dot_general3A_19 {dimension_numbers = #tpu.dot_dimension_numbers<[1], [0], [0], [1], [0, 0, 1, 1], [], []>, transpose_lhs_hint = false} : vector<4096x1xf32>, vector<1x16xf32>, vector<4096x16xf32> -> vector<4096x16xf32>
    %mul3A_21 = arith.mulf %get3A_1, %dot_general3A_20 : vector<4096x16xf32>
    %broadcast_in_dim3A = arith.constant 0.000000e+00 : f32
    %broadcast_in_dim3A_22 = vector.broadcast %broadcast_in_dim3A : f32 to vector<4096x15xf32>
    %concatenate3A = tpu.concatenate %mul3A_21, %exp3A, %broadcast_in_dim3A_22 in 1 : vector<4096x16xf32>, vector<4096x1xf32>, vector<4096x15xf32> -> vector<4096x32xf32>
    %swap3A = arith.constant 0 : index
    %swap3A_23 = arith.constant 0 : index
    %swap3A_24 = vector.load %arg6[%swap3A, %swap3A_23] : memref<4096x32xf32, #tpu.memory_space<vmem>>, vector<4096x32xf32>
    tpu.vector_store %arg6[%swap3A, %swap3A_23], %concatenate3A {strides = array<i32>} : memref<4096x32xf32, #tpu.memory_space<vmem>>, vector<4096x32xf32>,
    return
  }
  func.func @transform_0(%arg0: i32) -> (i32, i32) {
    %c0_i32 = arith.constant 0 : i32
    %c0_i32_0 = arith.constant 0 : i32
    return %arg0, %c0_i32 : i32, i32
  }
  func.func @transform_1(%arg0: i32) -> (i32, i32) {
    %c0_i32 = arith.constant 0 : i32
    %c0_i32_0 = arith.constant 0 : i32
    return %arg0, %c0_i32 : i32, i32
  }
  func.func @transform_2(%arg0: i32) -> (i32, i32) {
    %c0_i32 = arith.constant 0 : i32
    %c0_i32_0 = arith.constant 0 : i32
    %c0_i32_1 = arith.constant 0 : i32
    return %c0_i32, %c0_i32_0 : i32, i32
  }
  func.func @transform_3(%arg0: i32) -> (i32, i32) {
    %c0_i32 = arith.constant 0 : i32
    %c0_i32_0 = arith.constant 0 : i32
    %c0_i32_1 = arith.constant 0 : i32
    return %c0_i32, %c0_i32_0 : i32, i32
  }
  func.func @transform_4(%arg0: i32) -> (i32, i32) {
    %c0_i32 = arith.constant 0 : i32
    %c0_i32_0 = arith.constant 0 : i32
    %c0_i32_1 = arith.constant 0 : i32
    return %c0_i32, %c0_i32_0 : i32, i32
  }
  func.func @transform_5(%arg0: i32) -> (i32, i32) {
    %c0_i32 = arith.constant 0 : i32
    %c0_i32_0 = arith.constant 0 : i32
    return %arg0, %c0_i32 : i32, i32
  }
}

module attributes {stable_mosaic.version = 14 : i64} {
  func.func @_k3_body(%arg0: memref<2x10240x32xf32, #tpu.memory_space<vmem>>, %arg1: memref<16xf32, #tpu.memory_space<vmem>>, %arg2: memref<10000x16xf32, #tpu.memory_space<vmem>>) attributes {dimension_semantics = [], scalar_prefetch = 0 : i64, scratch_operands = 0 : i64, tpu.core_type = #tpu.core_type<tc>} {
    %get3A = arith.constant 0 : index
    %get3A_0 = arith.constant 0 : index
    %get3A_1 = arith.constant 0 : index
    %get3A_2 = vector.load %arg0[%get3A, %get3A_0, %get3A_1] : memref<2x10240x32xf32, #tpu.memory_space<vmem>>, vector<1x10240x32xf32>
    %get3A_3 = vector.shape_cast %get3A_2 : vector<1x10240x32xf32> to vector<10240x32xf32>
    %get3A_4 = arith.constant 1 : index
    %get3A_5 = arith.constant 0 : index
    %get3A_6 = arith.constant 0 : index
    %get3A_7 = vector.load %arg0[%get3A_4, %get3A_5, %get3A_6] : memref<2x10240x32xf32, #tpu.memory_space<vmem>>, vector<1x10240x32xf32>
    %get3A_8 = vector.shape_cast %get3A_7 : vector<1x10240x32xf32> to vector<10240x32xf32>
    %slice3A = vector.extract_strided_slice %get3A_3 {offsets = [0, 0], sizes = [10240, 16], strides = [1, 1]} : vector<10240x32xf32> to vector<10240x16xf32>
    %slice3A_9 = vector.extract_strided_slice %get3A_8 {offsets = [0, 0], sizes = [10240, 16], strides = [1, 1]} : vector<10240x32xf32> to vector<10240x16xf32>
    %add3A = arith.addf %slice3A, %slice3A_9 : vector<10240x16xf32>
    %slice3A_10 = vector.extract_strided_slice %get3A_3 {offsets = [0, 16], sizes = [10240, 1], strides = [1, 1]} : vector<10240x32xf32> to vector<10240x1xf32>
    %slice3A_11 = vector.extract_strided_slice %get3A_8 {offsets = [0, 16], sizes = [10240, 1], strides = [1, 1]} : vector<10240x32xf32> to vector<10240x1xf32>
    %add3A_12 = arith.addf %slice3A_10, %slice3A_11 : vector<10240x1xf32>
    %add3A_13 = arith.constant 1.000000e-16 : f32
    %add3A_14 = vector.broadcast %add3A_13 : f32 to vector<10240x1xf32>
    %add3A_15 = arith.addf %add3A_12, %add3A_14 : vector<10240x1xf32>
    %div3A = vector.broadcast %add3A_15 : vector<10240x1xf32> to vector<10240x16xf32>
    %div3A_16 = arith.divf %add3A, %div3A : vector<10240x16xf32>
    %get3A_17 = arith.constant 0 : index
    %get3A_18 = vector.load %arg1[%get3A_17] : memref<16xf32, #tpu.memory_space<vmem>>, vector<16xf32>
    %broadcast_in_dim3A = vector.shape_cast %get3A_18 : vector<16xf32> to vector<1x16xf32>
    %add3A_19 = vector.broadcast %broadcast_in_dim3A : vector<1x16xf32> to vector<10240x16xf32>
    %add3A_20 = arith.addf %div3A_16, %add3A_19 : vector<10240x16xf32>
    %reduce_max3A = arith.constant dense<0xFF800000> : vector<10240xf32>
    %reduce_max3A_21 = vector.multi_reduction <maximumf>, %add3A_20, %reduce_max3A [1] : vector<10240x16xf32> to vector<10240xf32>
    %broadcast_in_dim3A_22 = vector.shape_cast %reduce_max3A_21 : vector<10240xf32> to vector<10240x1xf32>
    %sub3A = vector.broadcast %broadcast_in_dim3A_22 : vector<10240x1xf32> to vector<10240x16xf32>
    %sub3A_23 = arith.subf %add3A_20, %sub3A : vector<10240x16xf32>
    %exp3A = math.exp %sub3A_23 : vector<10240x16xf32>
    %reduce_sum3A = arith.constant dense<0.000000e+00> : vector<10240xf32>
    %reduce_sum3A_24 = vector.multi_reduction <add>, %exp3A, %reduce_sum3A [1] : vector<10240x16xf32> to vector<10240xf32>
    %broadcast_in_dim3A_25 = vector.shape_cast %reduce_sum3A_24 : vector<10240xf32> to vector<10240x1xf32>
    %div3A_26 = vector.broadcast %broadcast_in_dim3A_25 : vector<10240x1xf32> to vector<10240x16xf32>
    %div3A_27 = arith.divf %exp3A, %div3A_26 : vector<10240x16xf32>
    %slice3A_28 = vector.extract_strided_slice %div3A_27 {offsets = [0, 0], sizes = [10000, 16], strides = [1, 1]} : vector<10240x16xf32> to vector<10000x16xf32>
    %swap3A = arith.constant 0 : index
    %swap3A_29 = arith.constant 0 : index
    %swap3A_30 = vector.load %arg2[%swap3A, %swap3A_29] : memref<10000x16xf32, #tpu.memory_space<vmem>>, vector<10000x16xf32>
    tpu.vector_store %arg2[%swap3A, %swap3A_29], %slice3A_28 {strides = array<i32>} : memref<10000x16xf32, #tpu.memory_space<vmem>>, vector<10000x16xf32>,
    return
  }
}

</mosaic_0001>

<sc_bundles>
// kernel: kernel.11.cloned.1.call-start
scs
__scs_entry_jumppad:
0x0: {  	(pc) =	sbr.rel $0x88, $3  }
0x1: {  	(tag) =	ssettag $0x0;
	lr =	simm.s32 $0x1  }
0x2: {  	[smem:$0x3F97] =	sst lr;
	_ =	strace $0xD0000000  }
0x3: {  	_ = 	snop  }
0x4: {  	_ = 	snop  }
0x5: {  	_ = 	snop  }
0x6: {  	_ = 	snop  }
0x7: {  	_ = 	snop  }
__scs_overlays_trampoline_lowered:
0x8: {  	[smem:$0x3FA6] =	sst s0  }
0x9: {  	[smem:$0x3FA7] =	sst s1  }
0xa: {  	[smem:$0x3FA8] =	sst s2  }
0xb: {  	[smem:$0x3FA9] =	sst s3  }
0xc: {  	[smem:$0x3FAA] =	sst s4  }
0xd: {  	[smem:$0x3FAB] =	sst s5  }
0xe: {  	[smem:$0x3FAC] =	sst s6  }
0xf: {  	[smem:$0x3FAD] =	sst s7  }
0x10: {  	[smem:$0x3FAE] =	sst s8  }
0x11: {  	[smem:$0x3FAF] =	sst s9;
	s0 =	simm.s32 @!p0 $0x0  }
0x12: {  	s1 =	sld [smem:$0x3F95];
	s0 =	simm.s32 @p0 $0x1  }
0x13: {  	[smem:$0x3FB0] =	sst s0;
	s0 =	simm.s32 @!p1 $0x0  }
0x14: {  	s2 =	sld [smem:$0x3F94];
	s0 =	simm.s32 @p1 $0x1  }
0x15: {  	[smem:$0x3FB1] =	sst s0;
	s0 =	simm.s32 @!p2 $0x0  }
0x16: {  	s3 =	sld [smem:$0x3FDB];
	s0 =	simm.s32 @p2 $0x1  }
0x17: {  	s4 =	simm.s32 $0x1BF5;
	[smem:$0x3FB3] =	sst s0  }
0x18: {  	s0 =	sld [smem:$0x3F96];
	_ =	swait.ge [sflag:s4], $0x0  }
0x19: {  	s7 =	sld [smem:$0x3F97]  }
0x1a: {  	s8 =	sadd.s32 $0xFFFFE003, lr  }
0x1b: {  	s9 =	sadd.s32 $0xFFFFFEF7, lr;
	s5 =	simm.s32 $0xFFFFFFFF;
	p2 =	slt.u32 s8, $0xFFFFF086  }
0x1c: {  	p1 =	slt.u32 s9, $0xF7A;
	s5 =	simm.s32 @!p2 $0x0  }
0x1d: {  	s5 =	simm.s32 @p1 $0x1;
	p0 =	seq.s32 s7, s2  }
0x1e: {  	s7 =	smul.u32 @!p0 $0xF7A, s2;
	p2 =	seq.s32 @!p0 s5, $0x0  }
0x1f: {  	s9 =	smul.u32 $0xF7A, s1;
	s8 =	simm.s32 @!p0 $0x1BF5;
	p2 =	por !p2, p0  }
0x20: {  	[sflag:s8] =	ssyncset.s32 @!p0 $0xFFFFF086;
	s6 =	sadd.s32 @!p0 s3, s7;
	s7 =	simm.s32 @!p0 $0x108  }
0x21: {  	s3 =	sadd.s32 s3, s9;
	s6 =	sadd.s32 @!p0 $0x88, s6;
	s7 =	simm.s32 @p2 $0x1082  }
0x22: {  	[simem:s7], [sflag:s8] =	dma.local @!p0 [hbm:s6], $0xF7A  }
0x23: {  	s9 =	sor.u32 $0xD0000000, s2;
	s6 =	simm.s32 $0x108;
	_ =	swait.ge @!p0 [sflag:s8], $0x0  }
0x24: {  	s3 =	sadd.s32 $0x88, s3;
	s6 =	simm.s32 @!p1 $0x1082;
	[sflag:s4] =	ssyncset.s32 $0xFFFFF086  }
0x25: {  	[simem:s6], [sflag:s4] =	dma.local [hbm:s3], $0xF7A  }
0x26: {  	[smem:$0x3F97] =	sst s1;
	(tag) =	ssettag s2;
	_ =	strace s9  }
0x27: {  	s1 =	sld [smem:$0x3FA7]  }
0x28: {  	s2 =	sld [smem:$0x3FA8]  }
0x29: {  	s4 =	sld [smem:$0x3FAA]  }
0x2a: {  	p0 =	seq.s32 s5, $0x0;
	s5 =	sld [smem:$0x3FAB]  }
0x2b: {  	s6 =	sld [smem:$0x3FAC]  }
0x2c: {  	s7 =	sld [smem:$0x3FAD]  }
0x2d: {  	s3 =	simm.s32 $0x108;
	s8 =	sld [smem:$0x3FAE]  }
0x2e: {  	s3 =	simm.s32 @!p0 $0x1082;
	s9 =	sld [smem:$0x3FAF]  }
0x2f: {  	lr =	sadd.s32 s0, s3;
	s0 =	sld [smem:$0x3FA6]  }
0x30: {  	s3 =	sld [smem:$0x3FA9]  }
0x31: {  	[smem:$0x3FB2] =	sst s10  }
0x32: {  	s10 =	sld [smem:$0x3FB0];
	_ =	sdelay $0x3  }
0x33: {  	p0 =	seq.s32 s10, $0x1;
	s10 =	sld [smem:$0x3FB2];
	_ =	sdelay $0x3  }
0x34: {  	[smem:$0x3FB2] =	sst s10  }
0x35: {  	s10 =	sld [smem:$0x3FB1];
	_ =	sdelay $0x3  }
0x36: {  	p1 =	seq.s32 s10, $0x1;
	s10 =	sld [smem:$0x3FB2];
	_ =	sdelay $0x3  }
0x37: {  	[smem:$0x3FB2] =	sst s10  }
0x38: {  	s10 =	sld [smem:$0x3FB3]  }
0x39: {  	_ = 	snop;
	(pc) =	sbr.ind lr, $3  }
0x3a: {  	_ = 	snop  }
0x3b: {  	_ = 	snop  }
0x3c: {  	p2 =	seq.s32 s10, $0x1;
	s10 =	sld [smem:$0x3FB2]  }
0x3d: {  	_ =	shalt  }
0x3e: {  	_ =	shalt  }
0x3f: {  	_ =	shalt  }
0x40: {  	_ =	shalt  }
0x41: {  	_ =	shalt  }
0x42: {  	_ =	shalt  }
0x43: {  	_ =	shalt  }
0x44: {  	_ =	shalt  }
0x45: {  	_ =	shalt  }
0x46: {  	_ =	shalt  }
0x47: {  	_ =	shalt  }
0x48: {  	_ =	shalt  }
0x49: {  	_ =	shalt  }
0x4a: {  	_ =	shalt  }
0x4b: {  	_ =	shalt  }
0x4c: {  	_ =	shalt  }
0x4d: {  	_ =	shalt  }
0x4e: {  	_ =	shalt  }
0x4f: {  	_ =	shalt  }
0x50: {  	_ =	shalt  }
0x51: {  	_ =	shalt  }
0x52: {  	_ =	shalt  }
0x53: {  	_ =	shalt  }
0x54: {  	_ =	shalt  }
0x55: {  	_ =	shalt  }
0x56: {  	_ =	shalt  }
0x57: {  	_ =	shalt  }
0x58: {  	_ =	shalt  }
0x59: {  	_ =	shalt  }
0x5a: {  	_ =	shalt  }
0x5b: {  	_ =	shalt  }
0x5c: {  	_ =	shalt  }
0x5d: {  	_ =	shalt  }
0x5e: {  	_ =	shalt  }
0x5f: {  	_ =	shalt  }
0x60: {  	_ =	shalt  }
0x61: {  	_ =	shalt  }
0x62: {  	_ =	shalt  }
0x63: {  	_ =	shalt  }
0x64: {  	_ =	shalt  }
0x65: {  	_ =	shalt  }
0x66: {  	_ =	shalt  }
0x67: {  	_ =	shalt  }
0x68: {  	_ =	shalt  }
0x69: {  	_ =	shalt  }
0x6a: {  	_ =	shalt  }
0x6b: {  	_ =	shalt  }
0x6c: {  	_ =	shalt  }
0x6d: {  	_ =	shalt  }
0x6e: {  	_ =	shalt  }
0x6f: {  	_ =	shalt  }
0x70: {  	_ =	shalt  }
0x71: {  	_ =	shalt  }
0x72: {  	_ =	shalt  }
0x73: {  	_ =	shalt  }
0x74: {  	_ =	shalt  }
0x75: {  	_ =	shalt  }
0x76: {  	_ =	shalt  }
0x77: {  	_ =	shalt  }
0x78: {  	_ =	shalt  }
0x79: {  	_ =	shalt  }
0x7a: {  	_ =	shalt  }
0x7b: {  	_ =	shalt  }
0x7c: {  	_ =	shalt  }
0x7d: {  	_ =	shalt  }
0x7e: {  	_ =	shalt  }
0x7f: {  	_ =	shalt  }
0x80: {  	_ =	shalt  }
0x81: {  	_ =	shalt  }
0x82: {  	_ =	shalt  }
0x83: {  	_ =	shalt  }
0x84: {  	_ =	shalt  }
0x85: {  	_ =	shalt  }
0x86: {  	_ =	shalt  }
0x87: {  	_ =	shalt  }
.Lfunc_end0:
.L_simem_size_0:
called_computation_lowered:
.L_overlay_start_0:
0x88: {  	s2 =	sld [smem:$0x3FD9]  }
0x89: {  	s3 =	sld [smem:$0x3FFE];
	_ =	sdelay $0x1  }
0x8a: {  	s1 =	srdreg.scid  }
0x8b: {  	s0 =	sand.u32 $0x1, s1  }
0x8c: {  	s16 =	sshll.u32 s0, $0xA;
	s2 =	sadd.s32 s3, s2  }
0x8d: {  	s2 =	sadd.s32 s2, s16  }
0x8e: {  	[smem:$0x3FBE] =	sst s2  }
0x8f: {  	_ = 	snop  }
0x90: {  	(tm) =	ssettm $0x1  }
0x91: {  	s17 =	sld [smem:$0x3FFB];
	_ =	sdelay $0x3  }
0x92: {  	_ =	strace s17  }
0x93: {  	s2 =	sld [smem:$0x3FFC];
	_ =	sdelay $0x3  }
0x94: {  	_ =	strace s2  }
0x95: {  	s2 =	sld [smem:$0x3FFD];
	_ =	sdelay $0x3  }
0x96: {  	_ =	strace s2  }
0x97: {  	_ =	strace $0x8FFFFFFF  }
0x98: {  	s18 =	sld [smem:$0x3FDB];
	_ =	sdelay $0x1  }
0x99: {  	s19 =	simm.s32 $_scs_section_size  }
0x9a: {  	s4 =	simm.s32 $_size__tile_overlayer_lowered;
	s5 =	simm.s32 $_tile_overlayer_lowered  }
0x9b: {  	s22 =	simm.s32 $0x1BFF;
	s21 =	sshll.u32 s5, $0x1;
	s2 =	sadd.s32 s19, s18  }
0x9c: {  	s6 =	simm.s32 $0x0;
	s20 =	sshll.u32 s4, $0x1;
	s4 =	sadd.s32 s21, s2  }
0x9d: {  	[timem:s6], [sflag:s22] =	dma.local [hbm:s4], s20  }
0x9e: {  	_ =	swait.ge [sflag:s22], s20  }
0x9f: {  	s3 =	ssub.s32 $0x0, s20;
	[sflag:s22] =	ssyncset.done $0x0  }
0xa0: {  	[sflag:s22] =	ssyncadd.s32 s3;
	_ =	sdelay $0x1  }
0xa1: {  	s23 =	simm.s32 $0x1B8B  }
0xa2: {  	_ =	swait.ge [sflag:s23], $0x1  }
0xa3: {  	[sflag:s23] =	ssyncset.done $0x0  }
0xa4: {  	s25 =	simm.s32 $0x1B8E;
	s24 =	sld [smem:$0x3FFE];
	[sflag:s23] =	ssyncadd.s32 $0xFFFFFFFF  }
0xa5: {  	s26 =	simm.s32 $execute0_lowered;
	[smem:$0x3FD2] =	sst s25  }
0xa6: {  	s4 =	sshll.u32 s26, $0x1;
	_ =	strace $0x80000046;
	[dreg:$0x1] =	wrdreg $0xFFFFFFFF  }
0xa7: {  	s28 =	simm.s32 $_size_execute0_lowered;
	s2 =	sadd.s32 s2, s4;
	[dreg:$0x0] =	wrdreg $0x0  }
0xa8: {  	s4 =	sshll.u32 s28, $0x1;
	[dreg:$0x2] =	wrdreg s2  }
0xa9: {  	[dreg:$0x3] =	wrdreg s4  }
0xaa: {  	[dreg:$0x4] =	wrdreg $0xC0  }
0xab: {  	_ =	task [dreg:s6], $0x5FFFF  }
0xac: {  	[dreg:$0x1] =	wrdreg $0xFFFFFFFF  }
0xad: {  	[dreg:$0x0] =	wrdreg $0x60  }
0xae: {  	[dreg:$0x2] =	wrdreg s24  }
0xaf: {  	[dreg:$0x3] =	wrdreg $0x9  }
0xb0: {  	_ =	task.clear_ibuf [dreg:s6], $0x4FFFF;
	_ =	strace $0x90000046  }
0xb1: {  	s29 =	simm.s32 $0x9;
	_ =	strace $0x80000048  }
0xb2: {  	_ =	swait.ge [sflag:s29], $0x1  }
0xb3: {  	[sflag:s29] =	ssyncadd.s32 $0xFFFFFFFF  }
0xb4: {  	_ =	strace $0x90000048  }
0xb5: {  	_ =	sfence  }
0xb6: {  	s30 =	sld [smem:$0x0];
	_ =	sdelay $0x2  }
0xb7: {  	s31 =	sshll.u32 s1, $0xD;
	s1 =	sshrl.u32 s1, $0x2  }
0xb8: {  	s3 =	sand.u32 $0x4000, s31;
	s1 =	sadd.s32 s1, s30  }
0xb9: {  	s0 =	sor.u32 s3, s0;
	s1 =	sshll.u32 s1, $0x11  }
0xba: {  	s0 =	sor.u32 s1, s0  }
0xbb: {  	s0 =	sadd.s32 $0x8F2B, s0  }
0xbc: {  	[sflag:s0] =	ssyncadd.remote.s32 $0x1  }
0xbd: {  	_ =	sfence.sel $0xFFFF  }
0xbe: {  	[dreg:$0x0] =	wrdreg $0xFFFFFFFF;
	(pc) =	sbr.abs _section_cstart, $3  }
0xbf: {  	[dreg:$0x1] =	wrdreg $0xFFFFFFFF  }
0xc0: {  	_ =	task.clear_ibuf [dreg:s6], $0x2FFFF;
	_ =	strace $0x9FFFFFFF  }
0xc1: {  	(tm) =	ssettm $0x7FFFFFFF  }
tec
execute0_lowered:
.L_overlay_start_1:
0x0: {  	(tag) =	ssettag $0x1  }
0x1: {  	s5 =	rddreg [dreg:$0x0]  }
0x2: {  	s0 =	rddreg [dreg:$0x1];
	s3 =	srdreg.scid  }
0x3: {  	s1 =	stileid.u32;
	s2 =	simm.s32 $0x0;
	s11 =	simm.s32 $0x80  }
0x4: {  	s12 =	simm.s32 $0x100;
	s13 =	simm.s32 $0x2100;
	s14 =	simm.s32 $0x1  }
0x5: {  	s15 =	simm.s32 $0x2;
	s16 =	simm.s32 $0x3;
	s17 =	simm.s32 $0x4  }
0x6: {  	s18 =	simm.s32 $0x0;
	s6 =	sand.u32 $0x1, s3;
	s7 =	smul.u32 $0x5100, s1  }
0x7: {  	[smem:$0x7FF] =	sst s2;
	s3 =	sadd.s32 $0x2AC00, s5;
	s9 =	smul.u32 $0x28800, s1  }
0x8: {  	s4 =	sadd.s32 $0x17200, s5;
	s8 =	smul.u32 $0x2880, s6;
	s10 =	ssub.s32 $0x2, s6  }
0x9: {  	_ =	strace $0x80000047;
	s6 =	smul.u32 $0x14400, s6;
	s30 =	sshrl.u32 s10, $0x1  }
0xa: {  	s29 =	sadd.s32 s9, s5;
	s7 =	sadd.s32 s8, s7;
	s9 =	ssub.s32 s10, s30  }
0xb: {  	s8 =	sadd.s32 s6, s29;
	s10 =	simm.s32 $0x5;
	s7 =	sshrl.u32 s7, $0x3  }
0xc: {  	s6 =	sadd.s32 $0x48800, s8;
	s31 =	sadd.s32 s7, s5;
	s5 =	smax.u32 s9, $0x1  }
0xd: {  	s7 =	sadd.s32 $0x2D0800, s8;
	s8 =	sadd.s32 $0xD000, s31;
	s9 =	sadd.s32 $0x3E600, s31  }
.LBB2_1:
0xe: {  	s19 =	sadd.s32 $0x0, s9  }
0xf: {  	[tilespmem:s2], [sflag:$0x5] =	stream.linear.gather [hbm4b:s19+s2], $0x80, $0x38;
	[tilespmem:$0x4100] =	vst v63  }
0x10: {  	_ =	swait.ge [sflag:s10], $0x80  }
0x11: {  	[sflag:s10] =	ssyncset.done $0x0  }
0x12: {  	s31 =	sadd.s32 $0x0, s8;
	[sflag:s10] =	ssyncadd.s32 $0xFFFFFF80  }
0x13: {  	[tilespmem:s11], [sflag:$0x5] =	stream.linear.gather [hbm4b:s31+s2], $0x80, $0x38;
	[tilespmem:$0x4100] =	vst v63  }
0x14: {  	_ =	swait.ge [sflag:s10], $0x80  }
0x15: {  	[sflag:s10] =	ssyncset.done $0x0  }
0x16: {  	[sflag:s10] =	ssyncadd.s32 $0xFFFFFF80  }
0x17: {  	[tilespmem:s12], [sflag:$0x1] =	stream.indirect.gather [hbm4b:s3+s11], $0x40, s2, s11, $0xb8;
	[tilespmem:$0x4100] =	vst v63  }
0x18: {  	_ = 	snop  }
0x19: {  	[tilespmem:s13], [sflag:$0x2] =	stream.indirect.gather [hbm4b:s4+s11], $0x40, s11, s11, $0xb8;
	[tilespmem:$0x4100] =	vst v63  }
0x1a: {  	_ =	swait.ge [sflag:s14], $0x2000  }
0x1b: {  	[sflag:s14] =	ssyncset.done $0x0  }
0x1c: {  	[sflag:s14] =	ssyncadd.s32 $0xFFFFE000  }
0x1d: {  	[hbm4b:s7+s2] =	stream.linear.scatter [tilespmem:s12], [sflag:$0x3], $0x2000, $0x38;
	[tilespmem:$0x4100] =	vst v63  }
0x1e: {  	_ =	swait.ge [sflag:s15], $0x2000  }
0x1f: {  	[sflag:s15] =	ssyncset.done $0x0  }
0x20: {  	[sflag:s15] =	ssyncadd.s32 $0xFFFFE000  }
0x21: {  	[hbm4b:s6+s2] =	stream.linear.scatter [tilespmem:s13], [sflag:$0x4], $0x2000, $0x38;
	[tilespmem:$0x4100] =	vst v63  }
0x22: {  	_ =	swait.ge [sflag:s16], $0x2000  }
0x23: {  	[sflag:s16] =	ssyncset.done $0x0  }
0x24: {  	[sflag:s16] =	ssyncadd.s32 $0xFFFFE000  }
0x25: {  	s21 =	simm.s32 $0x10;
	s22 =	simm.s32 $0x20;
	_ =	swait.ge [sflag:s17], $0x2000  }
0x26: {  	s20 =	sadd.s32 $0x400, s7;
	s19 =	sadd.s32 $0x400, s6;
	[sflag:s17] =	ssyncset.done $0x0  }
.LBB2_2:
0x27: {  	s23 =	sadd.s32 s21, s9  }
0x28: {  	[sflag:s17] =	ssyncadd.s32 $0xFFFFE000;
	s24 =	smov.u32 s22;
	s25 =	sadd.s32 $0x10, s22  }
0x29: {  	[tilespmem:s2], [sflag:$0x5] =	stream.linear.gather [hbm4b:s23+s2], $0x80, $0x38;
	[tilespmem:$0x4100] =	vst v63  }
0x2a: {  	p0 =	sne.s32 s22, $0x500;
	_ =	swait.ge [sflag:s10], $0x80  }
0x2b: {  	[sflag:s10] =	ssyncset.done $0x0  }
0x2c: {  	s22 =	sadd.s32 s21, s8;
	s21 =	smov.u32 s24;
	[sflag:s10] =	ssyncadd.s32 $0xFFFFFF80  }
0x2d: {  	[tilespmem:s11], [sflag:$0x5] =	stream.linear.gather [hbm4b:s22+s2], $0x80, $0x38;
	[tilespmem:$0x4100] =	vst v63  }
0x2e: {  	_ =	swait.ge [sflag:s10], $0x80  }
0x2f: {  	[sflag:s10] =	ssyncset.done $0x0  }
0x30: {  	[sflag:s10] =	ssyncadd.s32 $0xFFFFFF80  }
0x31: {  	[tilespmem:s12], [sflag:$0x1] =	stream.indirect.gather [hbm4b:s3+s11], $0x40, s2, s11, $0xb8;
	[tilespmem:$0x4100] =	vst v63  }
0x32: {  	_ = 	snop  }
0x33: {  	[tilespmem:s13], [sflag:$0x2] =	stream.indirect.gather [hbm4b:s4+s11], $0x40, s11, s11, $0xb8;
	[tilespmem:$0x4100] =	vst v63  }
0x34: {  	_ =	swait.ge [sflag:s14], $0x2000  }
0x35: {  	[sflag:s14] =	ssyncset.done $0x0  }
0x36: {  	[sflag:s14] =	ssyncadd.s32 $0xFFFFE000  }
0x37: {  	[hbm4b:s20+s2] =	stream.linear.scatter [tilespmem:s12], [sflag:$0x3], $0x2000, $0x38;
	[tilespmem:$0x4100] =	vst v63  }
0x38: {  	_ =	swait.ge [sflag:s15], $0x2000  }
0x39: {  	[sflag:s15] =	ssyncset.done $0x0  }
0x3a: {  	[sflag:s15] =	ssyncadd.s32 $0xFFFFE000  }
0x3b: {  	[hbm4b:s19+s2] =	stream.linear.scatter [tilespmem:s13], [sflag:$0x4], $0x2000, $0x38;
	[tilespmem:$0x4100] =	vst v63  }
.Ltmp0:
0x3c: {  	_ =	swait.ge [sflag:s16], $0x2000;
	(pc) =	sbr.rel @p0 .LBB2_2-.Ltmp0, $4  }
0x3d: {  	[sflag:s16] =	ssyncset.done $0x0  }
0x3e: {  	[sflag:s16] =	ssyncadd.s32 $0xFFFFE000  }
0x3f: {  	s22 =	smov.u32 s25;
	_ =	swait.ge [sflag:s17], $0x2000  }
0x40: {  	s20 =	sadd.s32 $0x400, s20;
	s19 =	sadd.s32 $0x400, s19;
	[sflag:s17] =	ssyncset.done $0x0  }
0x41: {  	s22 =	sadd.s32 s21, s9;
	[sflag:s17] =	ssyncadd.s32 $0xFFFFE000  }
0x42: {  	[tilespmem:s2], [sflag:$0x5] =	stream.linear.gather [hbm4b:s22+s2], $0x80, $0x38;
	[tilespmem:$0x4100] =	vst v63  }
0x43: {  	_ =	swait.ge [sflag:s10], $0x80  }
0x44: {  	[sflag:s10] =	ssyncset.done $0x0  }
0x45: {  	s31 =	sadd.s32 s21, s8;
	[sflag:s10] =	ssyncadd.s32 $0xFFFFFF80  }
0x46: {  	[tilespmem:s11], [sflag:$0x5] =	stream.linear.gather [hbm4b:s31+s2], $0x80, $0x38;
	[tilespmem:$0x4100] =	vst v63  }
0x47: {  	_ =	swait.ge [sflag:s10], $0x80  }
0x48: {  	[sflag:s10] =	ssyncset.done $0x0  }
0x49: {  	[sflag:s10] =	ssyncadd.s32 $0xFFFFFF80  }
0x4a: {  	[tilespmem:s12], [sflag:$0x1] =	stream.indirect.gather [hbm4b:s3+s11], $0x40, s2, s11, $0xb8;
	[tilespmem:$0x4100] =	vst v63  }
0x4b: {  	_ = 	snop  }
0x4c: {  	[tilespmem:s13], [sflag:$0x2] =	stream.indirect.gather [hbm4b:s4+s11], $0x40, s11, s11, $0xb8;
	[tilespmem:$0x4100] =	vst v63  }
0x4d: {  	_ =	swait.ge [sflag:s14], $0x2000  }
0x4e: {  	[sflag:s14] =	ssyncset.done $0x0  }
0x4f: {  	[sflag:s14] =	ssyncadd.s32 $0xFFFFE000  }
0x50: {  	[hbm4b:s20+s2] =	stream.linear.scatter [tilespmem:s12], [sflag:$0x3], $0x2000, $0x38;
	[tilespmem:$0x4100] =	vst v63  }
0x51: {  	_ =	swait.ge [sflag:s15], $0x2000  }
0x52: {  	[sflag:s15] =	ssyncset.done $0x0  }
0x53: {  	s18 =	sadd.s32 $0x1, s18;
	[sflag:s15] =	ssyncadd.s32 $0xFFFFE000  }
0x54: {  	[hbm4b:s19+s2] =	stream.linear.scatter [tilespmem:s13], [sflag:$0x4], $0x2000, $0x38;
	[tilespmem:$0x4100] =	vst v63  }
0x55: {  	p0 =	sne.s32 s18, s5;
	_ =	swait.ge [sflag:s16], $0x2000  }
.Ltmp1:
0x56: {  	[sflag:s16] =	ssyncset.done $0x0;
	(pc) =	sbr.rel @p0 .LBB2_1-.Ltmp1, $4  }
0x57: {  	[sflag:s16] =	ssyncadd.s32 $0xFFFFE000  }
0x58: {  	_ =	swait.ge [sflag:s17], $0x2000  }
0x59: {  	[sflag:s17] =	ssyncset.done $0x0  }
0x5a: {  	[sflag:s17] =	ssyncadd.s32 $0xFFFFE000  }
0x5b: {  	_ =	sfence.sel $0x180000  }
0x5c: {  	[bflag:$0x0] =	sbarrier.arrive $0xFFFF  }
0x5d: {  	p0 =	sne.s32 s1, $0x0;
	_ =	strace $0x90000047  }
0x5e: {  	s0 =	sadd.s32 @!p0 $0x100000, s0;
	[bflag:$0x2] =	sbarrier.arrive $0xFFFF  }
0x5f: {  	[sflag:s0] =	ssyncadd.tile.s32 @!p0 $0x1;
	_ =	shalt  }
.Lfunc_end2:
_tile_overlayer_lowered:
.L_overlay_start_2:
0x60: {  	(tag) =	ssettag $0x2  }
0x61: {  	s0 =	rddreg [dreg:$0x0];
	s2 =	stileid.u32  }
0x62: {  	s1 =	rddreg [dreg:$0x1];
	p0 =	sne.s32 s2, $0x0  }
0x63: {  	s3 =	rddreg [dreg:$0x2];
	[bflag:$0x3] =	sbarrier.arrive $0xFFFF;
	s2 =	simm.s32 @!p0 $0x1C05  }
0x64: {  	[timem:s3], [sflag:s2] =	dma.local @!p0 [hbm:s0], s1  }
0x65: {  	s0 =	simm.s32 @!p0 $0x5  }
0x66: {  	_ =	swait.ge @!p0 [sflag:s0], s1  }
0x67: {  	s1 =	ssub.s32 @!p0 $0x0, s1;
	[sflag:s0] =	ssyncset.done @!p0 $0x0  }
0x68: {  	[sflag:s0] =	ssyncadd.s32 @!p0 s1  }
0x69: {  	[bflag:$0x3] =	sbarrier.arrive $0xFFFF  }
0x6a: {  	_ =	shalt  }

// kernel: kernel.14.cloned.1.call-start
scs
__scs_entry_jumppad:
0x0: {  	(pc) =	sbr.rel $0x88, $3  }
0x1: {  	(tag) =	ssettag $0x0;
	lr =	simm.s32 $0x1  }
0x2: {  	[smem:$0x3F97] =	sst lr;
	_ =	strace $0xD0000000  }
0x3: {  	_ = 	snop  }
0x4: {  	_ = 	snop  }
0x5: {  	_ = 	snop  }
0x6: {  	_ = 	snop  }
0x7: {  	_ = 	snop  }
__scs_overlays_trampoline_lowered:
0x8: {  	[smem:$0x3FA6] =	sst s0  }
0x9: {  	[smem:$0x3FA7] =	sst s1  }
0xa: {  	[smem:$0x3FA8] =	sst s2  }
0xb: {  	[smem:$0x3FA9] =	sst s3  }
0xc: {  	[smem:$0x3FAA] =	sst s4  }
0xd: {  	[smem:$0x3FAB] =	sst s5  }
0xe: {  	[smem:$0x3FAC] =	sst s6  }
0xf: {  	[smem:$0x3FAD] =	sst s7  }
0x10: {  	[smem:$0x3FAE] =	sst s8  }
0x11: {  	[smem:$0x3FAF] =	sst s9;
	s0 =	simm.s32 @!p0 $0x0  }
0x12: {  	s1 =	sld [smem:$0x3F95];
	s0 =	simm.s32 @p0 $0x1  }
0x13: {  	[smem:$0x3FB0] =	sst s0;
	s0 =	simm.s32 @!p1 $0x0  }
0x14: {  	s2 =	sld [smem:$0x3F94];
	s0 =	simm.s32 @p1 $0x1  }
0x15: {  	[smem:$0x3FB1] =	sst s0;
	s0 =	simm.s32 @!p2 $0x0  }
0x16: {  	s3 =	sld [smem:$0x3FDB];
	s0 =	simm.s32 @p2 $0x1  }
0x17: {  	s4 =	simm.s32 $0x1BF5;
	[smem:$0x3FB3] =	sst s0  }
0x18: {  	s0 =	sld [smem:$0x3F96];
	_ =	swait.ge [sflag:s4], $0x0  }
0x19: {  	s7 =	sld [smem:$0x3F97]  }
0x1a: {  	s8 =	sadd.s32 $0xFFFFE003, lr  }
0x1b: {  	s9 =	sadd.s32 $0xFFFFFEF7, lr;
	s5 =	simm.s32 $0xFFFFFFFF;
	p2 =	slt.u32 s8, $0xFFFFF086  }
0x1c: {  	p1 =	slt.u32 s9, $0xF7A;
	s5 =	simm.s32 @!p2 $0x0  }
0x1d: {  	s5 =	simm.s32 @p1 $0x1;
	p0 =	seq.s32 s7, s2  }
0x1e: {  	s7 =	smul.u32 @!p0 $0xF7A, s2;
	p2 =	seq.s32 @!p0 s5, $0x0  }
0x1f: {  	s9 =	smul.u32 $0xF7A, s1;
	s8 =	simm.s32 @!p0 $0x1BF5;
	p2 =	por !p2, p0  }
0x20: {  	[sflag:s8] =	ssyncset.s32 @!p0 $0xFFFFF086;
	s6 =	sadd.s32 @!p0 s3, s7;
	s7 =	simm.s32 @!p0 $0x108  }
0x21: {  	s3 =	sadd.s32 s3, s9;
	s6 =	sadd.s32 @!p0 $0x88, s6;
	s7 =	simm.s32 @p2 $0x1082  }
0x22: {  	[simem:s7], [sflag:s8] =	dma.local @!p0 [hbm:s6], $0xF7A  }
0x23: {  	s9 =	sor.u32 $0xD0000000, s2;
	s6 =	simm.s32 $0x108;
	_ =	swait.ge @!p0 [sflag:s8], $0x0  }
0x24: {  	s3 =	sadd.s32 $0x88, s3;
	s6 =	simm.s32 @!p1 $0x1082;
	[sflag:s4] =	ssyncset.s32 $0xFFFFF086  }
0x25: {  	[simem:s6], [sflag:s4] =	dma.local [hbm:s3], $0xF7A  }
0x26: {  	[smem:$0x3F97] =	sst s1;
	(tag) =	ssettag s2;
	_ =	strace s9  }
0x27: {  	s1 =	sld [smem:$0x3FA7]  }
0x28: {  	s2 =	sld [smem:$0x3FA8]  }
0x29: {  	s4 =	sld [smem:$0x3FAA]  }
0x2a: {  	p0 =	seq.s32 s5, $0x0;
	s5 =	sld [smem:$0x3FAB]  }
0x2b: {  	s6 =	sld [smem:$0x3FAC]  }
0x2c: {  	s7 =	sld [smem:$0x3FAD]  }
0x2d: {  	s3 =	simm.s32 $0x108;
	s8 =	sld [smem:$0x3FAE]  }
0x2e: {  	s3 =	simm.s32 @!p0 $0x1082;
	s9 =	sld [smem:$0x3FAF]  }
0x2f: {  	lr =	sadd.s32 s0, s3;
	s0 =	sld [smem:$0x3FA6]  }
0x30: {  	s3 =	sld [smem:$0x3FA9]  }
0x31: {  	[smem:$0x3FB2] =	sst s10  }
0x32: {  	s10 =	sld [smem:$0x3FB0];
	_ =	sdelay $0x3  }
0x33: {  	p0 =	seq.s32 s10, $0x1;
	s10 =	sld [smem:$0x3FB2];
	_ =	sdelay $0x3  }
0x34: {  	[smem:$0x3FB2] =	sst s10  }
0x35: {  	s10 =	sld [smem:$0x3FB1];
	_ =	sdelay $0x3  }
0x36: {  	p1 =	seq.s32 s10, $0x1;
	s10 =	sld [smem:$0x3FB2];
	_ =	sdelay $0x3  }
0x37: {  	[smem:$0x3FB2] =	sst s10  }
0x38: {  	s10 =	sld [smem:$0x3FB3]  }
0x39: {  	_ = 	snop;
	(pc) =	sbr.ind lr, $3  }
0x3a: {  	_ = 	snop  }
0x3b: {  	_ = 	snop  }
0x3c: {  	p2 =	seq.s32 s10, $0x1;
	s10 =	sld [smem:$0x3FB2]  }
0x3d: {  	_ =	shalt  }
0x3e: {  	_ =	shalt  }
0x3f: {  	_ =	shalt  }
0x40: {  	_ =	shalt  }
0x41: {  	_ =	shalt  }
0x42: {  	_ =	shalt  }
0x43: {  	_ =	shalt  }
0x44: {  	_ =	shalt  }
0x45: {  	_ =	shalt  }
0x46: {  	_ =	shalt  }
0x47: {  	_ =	shalt  }
0x48: {  	_ =	shalt  }
0x49: {  	_ =	shalt  }
0x4a: {  	_ =	shalt  }
0x4b: {  	_ =	shalt  }
0x4c: {  	_ =	shalt  }
0x4d: {  	_ =	shalt  }
0x4e: {  	_ =	shalt  }
0x4f: {  	_ =	shalt  }
0x50: {  	_ =	shalt  }
0x51: {  	_ =	shalt  }
0x52: {  	_ =	shalt  }
0x53: {  	_ =	shalt  }
0x54: {  	_ =	shalt  }
0x55: {  	_ =	shalt  }
0x56: {  	_ =	shalt  }
0x57: {  	_ =	shalt  }
0x58: {  	_ =	shalt  }
0x59: {  	_ =	shalt  }
0x5a: {  	_ =	shalt  }
0x5b: {  	_ =	shalt  }
0x5c: {  	_ =	shalt  }
0x5d: {  	_ =	shalt  }
0x5e: {  	_ =	shalt  }
0x5f: {  	_ =	shalt  }
0x60: {  	_ =	shalt  }
0x61: {  	_ =	shalt  }
0x62: {  	_ =	shalt  }
0x63: {  	_ =	shalt  }
0x64: {  	_ =	shalt  }
0x65: {  	_ =	shalt  }
0x66: {  	_ =	shalt  }
0x67: {  	_ =	shalt  }
0x68: {  	_ =	shalt  }
0x69: {  	_ =	shalt  }
0x6a: {  	_ =	shalt  }
0x6b: {  	_ =	shalt  }
0x6c: {  	_ =	shalt  }
0x6d: {  	_ =	shalt  }
0x6e: {  	_ =	shalt  }
0x6f: {  	_ =	shalt  }
0x70: {  	_ =	shalt  }
0x71: {  	_ =	shalt  }
0x72: {  	_ =	shalt  }
0x73: {  	_ =	shalt  }
0x74: {  	_ =	shalt  }
0x75: {  	_ =	shalt  }
0x76: {  	_ =	shalt  }
0x77: {  	_ =	shalt  }
0x78: {  	_ =	shalt  }
0x79: {  	_ =	shalt  }
0x7a: {  	_ =	shalt  }
0x7b: {  	_ =	shalt  }
0x7c: {  	_ =	shalt  }
0x7d: {  	_ =	shalt  }
0x7e: {  	_ =	shalt  }
0x7f: {  	_ =	shalt  }
0x80: {  	_ =	shalt  }
0x81: {  	_ =	shalt  }
0x82: {  	_ =	shalt  }
0x83: {  	_ =	shalt  }
0x84: {  	_ =	shalt  }
0x85: {  	_ =	shalt  }
0x86: {  	_ =	shalt  }
0x87: {  	_ =	shalt  }
.Lfunc_end0:
.L_simem_size_0:
called_computation.1_lowered:
.L_overlay_start_0:
0x88: {  	s2 =	sld [smem:$0x3FD9]  }
0x89: {  	s3 =	sld [smem:$0x3FFE];
	_ =	sdelay $0x1  }
0x8a: {  	s1 =	srdreg.scid  }
0x8b: {  	s0 =	sand.u32 $0x1, s1  }
0x8c: {  	s16 =	sshll.u32 s0, $0xA;
	s2 =	sadd.s32 s3, s2  }
0x8d: {  	s2 =	sadd.s32 s2, s16  }
0x8e: {  	[smem:$0x3FBE] =	sst s2  }
0x8f: {  	_ = 	snop  }
0x90: {  	(tm) =	ssettm $0x1  }
0x91: {  	s17 =	sld [smem:$0x3FFB];
	_ =	sdelay $0x3  }
0x92: {  	_ =	strace s17  }
0x93: {  	s2 =	sld [smem:$0x3FFC];
	_ =	sdelay $0x3  }
0x94: {  	_ =	strace s2  }
0x95: {  	s2 =	sld [smem:$0x3FFD];
	_ =	sdelay $0x3  }
0x96: {  	_ =	strace s2  }
0x97: {  	_ =	strace $0x8FFFFFFF  }
0x98: {  	s18 =	sld [smem:$0x3FDB];
	_ =	sdelay $0x1  }
0x99: {  	s19 =	simm.s32 $_scs_section_size  }
0x9a: {  	s4 =	simm.s32 $_size__tile_overlayer_lowered;
	s5 =	simm.s32 $_tile_overlayer_lowered  }
0x9b: {  	s22 =	simm.s32 $0x1BFF;
	s21 =	sshll.u32 s5, $0x1;
	s2 =	sadd.s32 s19, s18  }
0x9c: {  	s6 =	simm.s32 $0x0;
	s20 =	sshll.u32 s4, $0x1;
	s4 =	sadd.s32 s21, s2  }
0x9d: {  	[timem:s6], [sflag:s22] =	dma.local [hbm:s4], s20  }
0x9e: {  	_ =	swait.ge [sflag:s22], s20  }
0x9f: {  	s3 =	ssub.s32 $0x0, s20;
	[sflag:s22] =	ssyncset.done $0x0  }
0xa0: {  	[sflag:s22] =	ssyncadd.s32 s3;
	_ =	sdelay $0x1  }
0xa1: {  	s23 =	simm.s32 $0x1B8B  }
0xa2: {  	_ =	swait.ge [sflag:s23], $0x1  }
0xa3: {  	[sflag:s23] =	ssyncset.done $0x0  }
0xa4: {  	s25 =	simm.s32 $0x1B8E;
	s24 =	sld [smem:$0x3FFE];
	[sflag:s23] =	ssyncadd.s32 $0xFFFFFFFF  }
0xa5: {  	s26 =	simm.s32 $execute0_lowered;
	[smem:$0x3FD2] =	sst s25  }
0xa6: {  	s4 =	sshll.u32 s26, $0x1;
	_ =	strace $0x80000049;
	[dreg:$0x1] =	wrdreg $0xFFFFFFFF  }
0xa7: {  	s28 =	simm.s32 $_size_execute0_lowered;
	s2 =	sadd.s32 s2, s4;
	[dreg:$0x0] =	wrdreg $0x0  }
0xa8: {  	s4 =	sshll.u32 s28, $0x1;
	[dreg:$0x2] =	wrdreg s2  }
0xa9: {  	[dreg:$0x3] =	wrdreg s4  }
0xaa: {  	[dreg:$0x4] =	wrdreg $0xC0  }
0xab: {  	_ =	task [dreg:s6], $0x5FFFF  }
0xac: {  	[dreg:$0x1] =	wrdreg $0xFFFFFFFF  }
0xad: {  	[dreg:$0x0] =	wrdreg $0x60  }
0xae: {  	[dreg:$0x2] =	wrdreg s24  }
0xaf: {  	[dreg:$0x3] =	wrdreg $0x28800  }
0xb0: {  	[dreg:$0x4] =	wrdreg $0x9  }
0xb1: {  	_ =	task.clear_ibuf [dreg:s6], $0x5FFFF;
	_ =	strace $0x90000049  }
0xb2: {  	s29 =	simm.s32 $0x9;
	_ =	strace $0x8000004B  }
0xb3: {  	_ =	swait.ge [sflag:s29], $0x1  }
0xb4: {  	[sflag:s29] =	ssyncadd.s32 $0xFFFFFFFF  }
0xb5: {  	_ =	strace $0x9000004B  }
0xb6: {  	_ =	sfence  }
0xb7: {  	s30 =	sld [smem:$0x0];
	_ =	sdelay $0x2  }
0xb8: {  	s31 =	sshll.u32 s1, $0xD;
	s1 =	sshrl.u32 s1, $0x2  }
0xb9: {  	s3 =	sand.u32 $0x4000, s31;
	s1 =	sadd.s32 s1, s30  }
0xba: {  	s0 =	sor.u32 s3, s0;
	s1 =	sshll.u32 s1, $0x11  }
0xbb: {  	s0 =	sor.u32 s1, s0  }
0xbc: {  	s0 =	sadd.s32 $0x8F2B, s0  }
0xbd: {  	[sflag:s0] =	ssyncadd.remote.s32 $0x1  }
0xbe: {  	_ =	sfence.sel $0xFFFF  }
0xbf: {  	[dreg:$0x0] =	wrdreg $0xFFFFFFFF;
	(pc) =	sbr.abs _section_cstart, $3  }
0xc0: {  	[dreg:$0x1] =	wrdreg $0xFFFFFFFF  }
0xc1: {  	_ =	task.clear_ibuf [dreg:s6], $0x2FFFF;
	_ =	strace $0x9FFFFFFF  }
0xc2: {  	(tm) =	ssettm $0x7FFFFFFF  }
0xc3: {  	_ =	shalt  }
tec
execute0_lowered:
.L_overlay_start_1:
0x0: {  	(tag) =	ssettag $0x1  }
0x1: {  	s0 =	stileid.u32  }
0x2: {  	s1 =	srdreg.scid;
	s4 =	rddreg [dreg:$0x0]  }
0x3: {  	s2 =	rddreg [dreg:$0x1];
	s3 =	simm.s32 $0x0;
	s6 =	smul.u32 $0x5100, s0  }
0x4: {  	s14 =	simm.s32 $0x2;
	s15 =	simm.s32 $0x0;
	s8 =	smul.u32 $0x32A00, s0  }
0x5: {  	s5 =	sand.u32 $0x1, s1;
	s1 =	rddreg [dreg:$0x2];
	s28 =	smul.u32 $0xC800, s0  }
0x6: {  	[smem:$0x7FF] =	sst s3;
	s31 =	sshll.u32 s0, $0x6;
	s7 =	smul.u32 $0x2880, s5  }
0x7: {  	s9 =	smul.u32 $0xC8000, s5;
	_ =	strace $0x8000004A;
	s11 =	ssub.s32 $0x2, s5  }
0x8: {  	s30 =	smul.u32 $0x19500, s5;
	s5 =	sor.u32 $0x1C03, s31;
	s8 =	sadd.s32 s8, s4  }
0x9: {  	s29 =	sshrl.u32 s28, $0x3;
	s12 =	sshrl.u32 s11, $0x1;
	s13 =	sadd.s32 s28, s2  }
0xa: {  	s6 =	sadd.s32 s7, s6;
	s9 =	sadd.s32 s28, s9;
	s11 =	ssub.s32 s11, s12  }
0xb: {  	s8 =	sadd.s32 s30, s8;
	s12 =	simm.s32 $0x80;
	s6 =	sshrl.u32 s6, $0x3  }
0xc: {  	s9 =	sshrl.u32 s9, $0x3;
	s7 =	smax.u32 s11, $0x1;
	s8 =	sadd.s32 $0x558800, s8  }
0xd: {  	s10 =	sadd.s32 s6, s4;
	s6 =	sadd.s32 s29, s4;
	s9 =	sadd.s32 s9, s4  }
0xe: {  	s11 =	simm.s32 $0x3;
	s4 =	sadd.s32 $0x17200, s6;
	s6 =	sadd.s32 $0x48800, s9  }
0xf: {  	s9 =	sadd.s32 $0x2E00, s10;
	s10 =	sshrl.u32 s13, $0x3;
	s13 =	simm.s32 $0x1  }
.LBB2_1:
0x10: {  	[spmem:s10], [sflag:s5] =	dma.local [hbm:s4], $0x1900  }
0x11: {  	_ =	swait.ge [sflag:s11], $0x1900  }
0x12: {  	[sflag:s11] =	ssyncset.done $0x0  }
0x13: {  	[sflag:s11] =	ssyncadd.s32 $0xFFFFE700  }
0x14: {  	s16 =	sadd.s32 $0x0, s9;
	[bflag:$0x0] =	sbarrier.arrive $0xFFFF  }
0x15: {  	[tilespmem:s3], [sflag:$0x1] =	stream.linear.gather [hbm4b:s16+s3], $0x80, $0x38;
	[tilespmem:$0xF080] =	vst v63  }
0x16: {  	_ = 	snop  }
0x17: {  	[tilespmem:s12], [sflag:$0x2] =	stream.linear.gather [hbm4b:s8+s3], $0x2800, $0x38;
	[tilespmem:$0xF080] =	vst v63  }
0x18: {  	_ =	swait.ge [sflag:s13], $0x80  }
0x19: {  	[sflag:s13] =	ssyncset.done $0x0  }
0x1a: {  	[sflag:s13] =	ssyncadd.s32 $0xFFFFFF80  }
0x1b: {  	_ =	swait.ge [sflag:s14], $0x2800  }
0x1c: {  	[sflag:s14] =	ssyncset.done $0x0  }
0x1d: {  	[sflag:s14] =	ssyncadd.s32 $0xFFFFD800  }
0x1e: {  	[spmem:s2] =	stream.indirect.scatter.add.f32 [tilespmem:s12], [sflag:$0x3], $0x50, s3, s12, $0xb8;
	[tilespmem:$0xF080] =	vst v63  }
0x1f: {  	s17 =	simm.s32 $0x10;
	_ =	swait.ge [sflag:s11], $0x2800  }
0x20: {  	s18 =	simm.s32 $0x20;
	s16 =	sadd.s32 $0x500, s8;
	[sflag:s11] =	ssyncset.done $0x0  }
.LBB2_2:
0x21: {  	s19 =	sadd.s32 s17, s9  }
0x22: {  	[sflag:s11] =	ssyncadd.s32 $0xFFFFD800;
	s17 =	smov.u32 s18;
	s20 =	sadd.s32 $0x10, s18  }
0x23: {  	[tilespmem:s3], [sflag:$0x1] =	stream.linear.gather [hbm4b:s19+s3], $0x80, $0x38;
	[tilespmem:$0xF080] =	vst v63  }
0x24: {  	p0 =	sne.s32 s18, $0x500  }
0x25: {  	[tilespmem:s12], [sflag:$0x2] =	stream.linear.gather [hbm4b:s16+s3], $0x2800, $0x38;
	[tilespmem:$0xF080] =	vst v63  }
0x26: {  	_ =	swait.ge [sflag:s13], $0x80  }
0x27: {  	[sflag:s13] =	ssyncset.done $0x0  }
0x28: {  	[sflag:s13] =	ssyncadd.s32 $0xFFFFFF80  }
0x29: {  	_ =	swait.ge [sflag:s14], $0x2800  }
.Ltmp0:
0x2a: {  	[sflag:s14] =	ssyncset.done $0x0;
	(pc) =	sbr.rel @p0 .LBB2_2-.Ltmp0, $4  }
0x2b: {  	[sflag:s14] =	ssyncadd.s32 $0xFFFFD800  }
0x2c: {  	[spmem:s2] =	stream.indirect.scatter.add.f32 [tilespmem:s12], [sflag:$0x3], $0x50, s3, s12, $0xb8;
	[tilespmem:$0xF080] =	vst v63  }
0x2d: {  	_ =	swait.ge [sflag:s11], $0x2800  }
0x2e: {  	s18 =	smov.u32 s20;
	s16 =	sadd.s32 $0x500, s16;
	[sflag:s11] =	ssyncset.done $0x0  }
0x2f: {  	s17 =	sadd.s32 s17, s9;
	[sflag:s11] =	ssyncadd.s32 $0xFFFFD800  }
0x30: {  	[tilespmem:s3], [sflag:$0x1] =	stream.linear.gather [hbm4b:s17+s3], $0x80, $0x38;
	[tilespmem:$0xF080] =	vst v63  }
0x31: {  	_ = 	snop  }
0x32: {  	[tilespmem:s12], [sflag:$0x2] =	stream.linear.gather [hbm4b:s16+s3], $0x2800, $0x38;
	[tilespmem:$0xF080] =	vst v63  }
0x33: {  	_ =	swait.ge [sflag:s13], $0x80  }
0x34: {  	[sflag:s13] =	ssyncset.done $0x0  }
0x35: {  	[sflag:s13] =	ssyncadd.s32 $0xFFFFFF80  }
0x36: {  	_ =	swait.ge [sflag:s14], $0x2800  }
0x37: {  	[sflag:s14] =	ssyncset.done $0x0  }
0x38: {  	[sflag:s14] =	ssyncadd.s32 $0xFFFFD800  }
0x39: {  	[spmem:s2] =	stream.indirect.scatter.add.f32 [tilespmem:s12], [sflag:$0x3], $0x50, s3, s12, $0xb8;
	[tilespmem:$0xF080] =	vst v63  }
0x3a: {  	_ =	swait.ge [sflag:s11], $0x2800  }
0x3b: {  	s15 =	sadd.s32 $0x1, s15;
	[sflag:s11] =	ssyncset.done $0x0  }
0x3c: {  	p0 =	sne.s32 s15, s7;
	[sflag:s11] =	ssyncadd.s32 $0xFFFFD800  }
.Ltmp1:
0x3d: {  	[bflag:$0x0] =	sbarrier.arrive $0xFFFF;
	(pc) =	sbr.rel @p0 .LBB2_1-.Ltmp1, $4  }
0x3e: {  	[hbm:s6], [sflag:s5] =	dma.local [spmem:s10], $0x1900  }
0x3f: {  	_ =	swait.ge [sflag:s11], $0x1900  }
0x40: {  	[sflag:s11] =	ssyncset.done $0x0  }
0x41: {  	[sflag:s11] =	ssyncadd.s32 $0xFFFFE700  }
0x42: {  	_ =	sfence.sel $0x180000  }
0x43: {  	[bflag:$0x0] =	sbarrier.arrive $0xFFFF  }
0x44: {  	p0 =	sne.s32 s0, $0x0;
	_ =	strace $0x9000004A  }
0x45: {  	s0 =	sadd.s32 @!p0 $0x100000, s1;
	[bflag:$0x2] =	sbarrier.arrive $0xFFFF  }
0x46: {  	[sflag:s0] =	ssyncadd.tile.s32 @!p0 $0x1;
	_ =	shalt  }
.Lfunc_end2:
_tile_overlayer_lowered:
.L_overlay_start_2:
0x47: {  	(tag) =	ssettag $0x2  }
0x48: {  	s0 =	rddreg [dreg:$0x0];
	s2 =	stileid.u32  }
0x49: {  	s1 =	rddreg [dreg:$0x1];
	p0 =	sne.s32 s2, $0x0  }
0x4a: {  	s3 =	rddreg [dreg:$0x2];
	[bflag:$0x3] =	sbarrier.arrive $0xFFFF;
	s2 =	simm.s32 @!p0 $0x1C03  }
0x4b: {  	[timem:s3], [sflag:s2] =	dma.local @!p0 [hbm:s0], s1  }
0x4c: {  	s0 =	simm.s32 @!p0 $0x3  }
0x4d: {  	_ =	swait.ge @!p0 [sflag:s0], s1  }
0x4e: {  	s1 =	ssub.s32 @!p0 $0x0, s1;
	[sflag:s0] =	ssyncset.done @!p0 $0x0  }
0x4f: {  	[sflag:s0] =	ssyncadd.s32 @!p0 s1  }
0x50: {  	[bflag:$0x3] =	sbarrier.arrive $0xFFFF  }
0x51: {  	_ =	shalt  }

// kernel: kernel.17.cloned.1.call-start
scs
__scs_entry_jumppad:
0x0: {  	(pc) =	sbr.rel $0x88, $3  }
0x1: {  	(tag) =	ssettag $0x0;
	lr =	simm.s32 $0x1  }
0x2: {  	[smem:$0x3F97] =	sst lr;
	_ =	strace $0xD0000000  }
0x3: {  	_ = 	snop  }
0x4: {  	_ = 	snop  }
0x5: {  	_ = 	snop  }
0x6: {  	_ = 	snop  }
0x7: {  	_ = 	snop  }
__scs_overlays_trampoline_lowered:
0x8: {  	[smem:$0x3FA6] =	sst s0  }
0x9: {  	[smem:$0x3FA7] =	sst s1  }
0xa: {  	[smem:$0x3FA8] =	sst s2  }
0xb: {  	[smem:$0x3FA9] =	sst s3  }
0xc: {  	[smem:$0x3FAA] =	sst s4  }
0xd: {  	[smem:$0x3FAB] =	sst s5  }
0xe: {  	[smem:$0x3FAC] =	sst s6  }
0xf: {  	[smem:$0x3FAD] =	sst s7  }
0x10: {  	[smem:$0x3FAE] =	sst s8  }
0x11: {  	[smem:$0x3FAF] =	sst s9;
	s0 =	simm.s32 @!p0 $0x0  }
0x12: {  	s1 =	sld [smem:$0x3F95];
	s0 =	simm.s32 @p0 $0x1  }
0x13: {  	[smem:$0x3FB0] =	sst s0;
	s0 =	simm.s32 @!p1 $0x0  }
0x14: {  	s2 =	sld [smem:$0x3F94];
	s0 =	simm.s32 @p1 $0x1  }
0x15: {  	[smem:$0x3FB1] =	sst s0;
	s0 =	simm.s32 @!p2 $0x0  }
0x16: {  	s3 =	sld [smem:$0x3FDB];
	s0 =	simm.s32 @p2 $0x1  }
0x17: {  	s4 =	simm.s32 $0x1BF5;
	[smem:$0x3FB3] =	sst s0  }
0x18: {  	s0 =	sld [smem:$0x3F96];
	_ =	swait.ge [sflag:s4], $0x0  }
0x19: {  	s7 =	sld [smem:$0x3F97]  }
0x1a: {  	s8 =	sadd.s32 $0xFFFFE003, lr  }
0x1b: {  	s9 =	sadd.s32 $0xFFFFFEF7, lr;
	s5 =	simm.s32 $0xFFFFFFFF;
	p2 =	slt.u32 s8, $0xFFFFF086  }
0x1c: {  	p1 =	slt.u32 s9, $0xF7A;
	s5 =	simm.s32 @!p2 $0x0  }
0x1d: {  	s5 =	simm.s32 @p1 $0x1;
	p0 =	seq.s32 s7, s2  }
0x1e: {  	s7 =	smul.u32 @!p0 $0xF7A, s2;
	p2 =	seq.s32 @!p0 s5, $0x0  }
0x1f: {  	s9 =	smul.u32 $0xF7A, s1;
	s8 =	simm.s32 @!p0 $0x1BF5;
	p2 =	por !p2, p0  }
0x20: {  	[sflag:s8] =	ssyncset.s32 @!p0 $0xFFFFF086;
	s6 =	sadd.s32 @!p0 s3, s7;
	s7 =	simm.s32 @!p0 $0x108  }
0x21: {  	s3 =	sadd.s32 s3, s9;
	s6 =	sadd.s32 @!p0 $0x88, s6;
	s7 =	simm.s32 @p2 $0x1082  }
0x22: {  	[simem:s7], [sflag:s8] =	dma.local @!p0 [hbm:s6], $0xF7A  }
0x23: {  	s9 =	sor.u32 $0xD0000000, s2;
	s6 =	simm.s32 $0x108;
	_ =	swait.ge @!p0 [sflag:s8], $0x0  }
0x24: {  	s3 =	sadd.s32 $0x88, s3;
	s6 =	simm.s32 @!p1 $0x1082;
	[sflag:s4] =	ssyncset.s32 $0xFFFFF086  }
0x25: {  	[simem:s6], [sflag:s4] =	dma.local [hbm:s3], $0xF7A  }
0x26: {  	[smem:$0x3F97] =	sst s1;
	(tag) =	ssettag s2;
	_ =	strace s9  }
0x27: {  	s1 =	sld [smem:$0x3FA7]  }
0x28: {  	s2 =	sld [smem:$0x3FA8]  }
0x29: {  	s4 =	sld [smem:$0x3FAA]  }
0x2a: {  	p0 =	seq.s32 s5, $0x0;
	s5 =	sld [smem:$0x3FAB]  }
0x2b: {  	s6 =	sld [smem:$0x3FAC]  }
0x2c: {  	s7 =	sld [smem:$0x3FAD]  }
0x2d: {  	s3 =	simm.s32 $0x108;
	s8 =	sld [smem:$0x3FAE]  }
0x2e: {  	s3 =	simm.s32 @!p0 $0x1082;
	s9 =	sld [smem:$0x3FAF]  }
0x2f: {  	lr =	sadd.s32 s0, s3;
	s0 =	sld [smem:$0x3FA6]  }
0x30: {  	s3 =	sld [smem:$0x3FA9]  }
0x31: {  	[smem:$0x3FB2] =	sst s10  }
0x32: {  	s10 =	sld [smem:$0x3FB0];
	_ =	sdelay $0x3  }
0x33: {  	p0 =	seq.s32 s10, $0x1;
	s10 =	sld [smem:$0x3FB2];
	_ =	sdelay $0x3  }
0x34: {  	[smem:$0x3FB2] =	sst s10  }
0x35: {  	s10 =	sld [smem:$0x3FB1];
	_ =	sdelay $0x3  }
0x36: {  	p1 =	seq.s32 s10, $0x1;
	s10 =	sld [smem:$0x3FB2];
	_ =	sdelay $0x3  }
0x37: {  	[smem:$0x3FB2] =	sst s10  }
0x38: {  	s10 =	sld [smem:$0x3FB3]  }
0x39: {  	_ = 	snop;
	(pc) =	sbr.ind lr, $3  }
0x3a: {  	_ = 	snop  }
0x3b: {  	_ = 	snop  }
0x3c: {  	p2 =	seq.s32 s10, $0x1;
	s10 =	sld [smem:$0x3FB2]  }
0x3d: {  	_ =	shalt  }
0x3e: {  	_ =	shalt  }
0x3f: {  	_ =	shalt  }
0x40: {  	_ =	shalt  }
0x41: {  	_ =	shalt  }
0x42: {  	_ =	shalt  }
0x43: {  	_ =	shalt  }
0x44: {  	_ =	shalt  }
0x45: {  	_ =	shalt  }
0x46: {  	_ =	shalt  }
0x47: {  	_ =	shalt  }
0x48: {  	_ =	shalt  }
0x49: {  	_ =	shalt  }
0x4a: {  	_ =	shalt  }
0x4b: {  	_ =	shalt  }
0x4c: {  	_ =	shalt  }
0x4d: {  	_ =	shalt  }
0x4e: {  	_ =	shalt  }
0x4f: {  	_ =	shalt  }
0x50: {  	_ =	shalt  }
0x51: {  	_ =	shalt  }
0x52: {  	_ =	shalt  }
0x53: {  	_ =	shalt  }
0x54: {  	_ =	shalt  }
0x55: {  	_ =	shalt  }
0x56: {  	_ =	shalt  }
0x57: {  	_ =	shalt  }
0x58: {  	_ =	shalt  }
0x59: {  	_ =	shalt  }
0x5a: {  	_ =	shalt  }
0x5b: {  	_ =	shalt  }
0x5c: {  	_ =	shalt  }
0x5d: {  	_ =	shalt  }
0x5e: {  	_ =	shalt  }
0x5f: {  	_ =	shalt  }
0x60: {  	_ =	shalt  }
0x61: {  	_ =	shalt  }
0x62: {  	_ =	shalt  }
0x63: {  	_ =	shalt  }
0x64: {  	_ =	shalt  }
0x65: {  	_ =	shalt  }
0x66: {  	_ =	shalt  }
0x67: {  	_ =	shalt  }
0x68: {  	_ =	shalt  }
0x69: {  	_ =	shalt  }
0x6a: {  	_ =	shalt  }
0x6b: {  	_ =	shalt  }
0x6c: {  	_ =	shalt  }
0x6d: {  	_ =	shalt  }
0x6e: {  	_ =	shalt  }
0x6f: {  	_ =	shalt  }
0x70: {  	_ =	shalt  }
0x71: {  	_ =	shalt  }
0x72: {  	_ =	shalt  }
0x73: {  	_ =	shalt  }
0x74: {  	_ =	shalt  }
0x75: {  	_ =	shalt  }
0x76: {  	_ =	shalt  }
0x77: {  	_ =	shalt  }
0x78: {  	_ =	shalt  }
0x79: {  	_ =	shalt  }
0x7a: {  	_ =	shalt  }
0x7b: {  	_ =	shalt  }
0x7c: {  	_ =	shalt  }
0x7d: {  	_ =	shalt  }
0x7e: {  	_ =	shalt  }
0x7f: {  	_ =	shalt  }
0x80: {  	_ =	shalt  }
0x81: {  	_ =	shalt  }
0x82: {  	_ =	shalt  }
0x83: {  	_ =	shalt  }
0x84: {  	_ =	shalt  }
0x85: {  	_ =	shalt  }
0x86: {  	_ =	shalt  }
0x87: {  	_ =	shalt  }
.Lfunc_end0:
.L_simem_size_0:
called_computation.2_lowered:
.L_overlay_start_0:
0x88: {  	s2 =	sld [smem:$0x3FD9]  }
0x89: {  	s3 =	sld [smem:$0x3FFE];
	_ =	sdelay $0x1  }
0x8a: {  	s1 =	srdreg.scid  }
0x8b: {  	s0 =	sand.u32 $0x1, s1  }
0x8c: {  	s16 =	sshll.u32 s0, $0xA;
	s2 =	sadd.s32 s3, s2  }
0x8d: {  	s2 =	sadd.s32 s2, s16  }
0x8e: {  	[smem:$0x3FBE] =	sst s2  }
0x8f: {  	_ = 	snop  }
0x90: {  	(tm) =	ssettm $0x1  }
0x91: {  	s17 =	sld [smem:$0x3FFB];
	_ =	sdelay $0x3  }
0x92: {  	_ =	strace s17  }
0x93: {  	s2 =	sld [smem:$0x3FFC];
	_ =	sdelay $0x3  }
0x94: {  	_ =	strace s2  }
0x95: {  	s2 =	sld [smem:$0x3FFD];
	_ =	sdelay $0x3  }
0x96: {  	_ =	strace s2  }
0x97: {  	_ =	strace $0x8FFFFFFF  }
0x98: {  	s18 =	sld [smem:$0x3FDB];
	_ =	sdelay $0x1  }
0x99: {  	s19 =	simm.s32 $_scs_section_size  }
0x9a: {  	s4 =	simm.s32 $_size__tile_overlayer_lowered;
	s5 =	simm.s32 $_tile_overlayer_lowered  }
0x9b: {  	s22 =	simm.s32 $0x1BFF;
	s21 =	sshll.u32 s5, $0x1;
	s2 =	sadd.s32 s19, s18  }
0x9c: {  	s6 =	simm.s32 $0x0;
	s20 =	sshll.u32 s4, $0x1;
	s4 =	sadd.s32 s21, s2  }
0x9d: {  	[timem:s6], [sflag:s22] =	dma.local [hbm:s4], s20  }
0x9e: {  	_ =	swait.ge [sflag:s22], s20  }
0x9f: {  	s3 =	ssub.s32 $0x0, s20;
	[sflag:s22] =	ssyncset.done $0x0  }
0xa0: {  	[sflag:s22] =	ssyncadd.s32 s3;
	_ =	sdelay $0x1  }
0xa1: {  	s23 =	simm.s32 $0x1B8B  }
0xa2: {  	_ =	swait.ge [sflag:s23], $0x1  }
0xa3: {  	[sflag:s23] =	ssyncset.done $0x0  }
0xa4: {  	s25 =	simm.s32 $0x1B8E;
	s24 =	sld [smem:$0x3FFE];
	[sflag:s23] =	ssyncadd.s32 $0xFFFFFFFF  }
0xa5: {  	s26 =	simm.s32 $execute0_lowered;
	[smem:$0x3FD2] =	sst s25  }
0xa6: {  	s4 =	sshll.u32 s26, $0x1;
	_ =	strace $0x8000004C;
	[dreg:$0x1] =	wrdreg $0xFFFFFFFF  }
0xa7: {  	s28 =	simm.s32 $_size_execute0_lowered;
	s2 =	sadd.s32 s2, s4;
	[dreg:$0x0] =	wrdreg $0x0  }
0xa8: {  	s4 =	sshll.u32 s28, $0x1;
	[dreg:$0x2] =	wrdreg s2  }
0xa9: {  	[dreg:$0x3] =	wrdreg s4  }
0xaa: {  	[dreg:$0x4] =	wrdreg $0xC0  }
0xab: {  	_ =	task [dreg:s6], $0x5FFFF  }
0xac: {  	[dreg:$0x1] =	wrdreg $0xFFFFFFFF  }
0xad: {  	[dreg:$0x0] =	wrdreg $0x60  }
0xae: {  	[dreg:$0x2] =	wrdreg s24  }
0xaf: {  	[dreg:$0x3] =	wrdreg $0x9  }
0xb0: {  	_ =	task.clear_ibuf [dreg:s6], $0x4FFFF;
	_ =	strace $0x9000004C  }
0xb1: {  	s29 =	simm.s32 $0x9;
	_ =	strace $0x8000004E  }
0xb2: {  	_ =	swait.ge [sflag:s29], $0x1  }
0xb3: {  	[sflag:s29] =	ssyncadd.s32 $0xFFFFFFFF  }
0xb4: {  	_ =	strace $0x9000004E  }
0xb5: {  	_ =	sfence  }
0xb6: {  	s30 =	sld [smem:$0x0];
	_ =	sdelay $0x2  }
0xb7: {  	s31 =	sshll.u32 s1, $0xD;
	s1 =	sshrl.u32 s1, $0x2  }
0xb8: {  	s3 =	sand.u32 $0x4000, s31;
	s1 =	sadd.s32 s1, s30  }
0xb9: {  	s0 =	sor.u32 s3, s0;
	s1 =	sshll.u32 s1, $0x11  }
0xba: {  	s0 =	sor.u32 s1, s0  }
0xbb: {  	s0 =	sadd.s32 $0x8F2B, s0  }
0xbc: {  	[sflag:s0] =	ssyncadd.remote.s32 $0x1  }
0xbd: {  	_ =	sfence.sel $0xFFFF  }
0xbe: {  	[dreg:$0x0] =	wrdreg $0xFFFFFFFF;
	(pc) =	sbr.abs _section_cstart, $3  }
0xbf: {  	[dreg:$0x1] =	wrdreg $0xFFFFFFFF  }
0xc0: {  	_ =	task.clear_ibuf [dreg:s6], $0x2FFFF;
	_ =	strace $0x9FFFFFFF  }
0xc1: {  	(tm) =	ssettm $0x7FFFFFFF  }
tec
execute0_lowered:
.L_overlay_start_1:
0x0: {  	(tag) =	ssettag $0x1  }
0x1: {  	s5 =	rddreg [dreg:$0x0]  }
0x2: {  	s0 =	rddreg [dreg:$0x1];
	s3 =	srdreg.scid  }
0x3: {  	s1 =	stileid.u32;
	s2 =	simm.s32 $0x0;
	s11 =	simm.s32 $0x80  }
0x4: {  	s12 =	simm.s32 $0x100;
	s13 =	simm.s32 $0x900;
	s14 =	simm.s32 $0x1  }
0x5: {  	s15 =	simm.s32 $0x2;
	s16 =	simm.s32 $0x3;
	s17 =	simm.s32 $0x4  }
0x6: {  	s18 =	simm.s32 $0x0;
	s6 =	sand.u32 $0x1, s3;
	s7 =	smul.u32 $0x5100, s1  }
0x7: {  	[smem:$0x7FF] =	sst s2;
	s3 =	sadd.s32 $0x1C200, s5;
	s9 =	smul.u32 $0xA200, s1  }
0x8: {  	s4 =	sadd.s32 $0x17200, s5;
	s8 =	smul.u32 $0x2880, s6;
	s10 =	ssub.s32 $0x2, s6  }
0x9: {  	_ =	strace $0x8000004D;
	s6 =	smul.u32 $0x5100, s6;
	s30 =	sshrl.u32 s10, $0x1  }
0xa: {  	s29 =	sadd.s32 s9, s5;
	s7 =	sadd.s32 s8, s7;
	s9 =	ssub.s32 s10, s30  }
0xb: {  	s8 =	sadd.s32 s6, s29;
	s10 =	simm.s32 $0x5;
	s7 =	sshrl.u32 s7, $0x3  }
0xc: {  	s6 =	sadd.s32 $0x48800, s8;
	s31 =	sadd.s32 s7, s5;
	s5 =	smax.u32 s9, $0x1  }
0xd: {  	s7 =	sadd.s32 $0xEA800, s8;
	s8 =	sadd.s32 $0xD000, s31;
	s9 =	sadd.s32 $0x3E600, s31  }
.LBB2_1:
0xe: {  	s19 =	sadd.s32 $0x0, s9  }
0xf: {  	[tilespmem:s2], [sflag:$0x5] =	stream.linear.gather [hbm4b:s19+s2], $0x80, $0x38;
	[tilespmem:$0x1100] =	vst v63  }
0x10: {  	_ =	swait.ge [sflag:s10], $0x80  }
0x11: {  	[sflag:s10] =	ssyncset.done $0x0  }
0x12: {  	s31 =	sadd.s32 $0x0, s8;
	[sflag:s10] =	ssyncadd.s32 $0xFFFFFF80  }
0x13: {  	[tilespmem:s11], [sflag:$0x5] =	stream.linear.gather [hbm4b:s31+s2], $0x80, $0x38;
	[tilespmem:$0x1100] =	vst v63  }
0x14: {  	_ =	swait.ge [sflag:s10], $0x80  }
0x15: {  	[sflag:s10] =	ssyncset.done $0x0  }
0x16: {  	[sflag:s10] =	ssyncadd.s32 $0xFFFFFF80  }
0x17: {  	[tilespmem:s12], [sflag:$0x1] =	stream.indirect.gather [hbm4b:s3+s11], $0x10, s2, s11, $0xb8;
	[tilespmem:$0x1100] =	vst v63  }
0x18: {  	_ = 	snop  }
0x19: {  	[tilespmem:s13], [sflag:$0x2] =	stream.indirect.gather [hbm4b:s4+s11], $0x10, s11, s11, $0xb8;
	[tilespmem:$0x1100] =	vst v63  }
0x1a: {  	_ =	swait.ge [sflag:s14], $0x800  }
0x1b: {  	[sflag:s14] =	ssyncset.done $0x0  }
0x1c: {  	[sflag:s14] =	ssyncadd.s32 $0xFFFFF800  }
0x1d: {  	[hbm4b:s7+s2] =	stream.linear.scatter [tilespmem:s12], [sflag:$0x3], $0x800, $0x38;
	[tilespmem:$0x1100] =	vst v63  }
0x1e: {  	_ =	swait.ge [sflag:s15], $0x800  }
0x1f: {  	[sflag:s15] =	ssyncset.done $0x0  }
0x20: {  	[sflag:s15] =	ssyncadd.s32 $0xFFFFF800  }
0x21: {  	[hbm4b:s6+s2] =	stream.linear.scatter [tilespmem:s13], [sflag:$0x4], $0x800, $0x38;
	[tilespmem:$0x1100] =	vst v63  }
0x22: {  	_ =	swait.ge [sflag:s16], $0x800  }
0x23: {  	[sflag:s16] =	ssyncset.done $0x0  }
0x24: {  	[sflag:s16] =	ssyncadd.s32 $0xFFFFF800  }
0x25: {  	s21 =	simm.s32 $0x10;
	s22 =	simm.s32 $0x20;
	_ =	swait.ge [sflag:s17], $0x800  }
0x26: {  	s20 =	sadd.s32 $0x100, s7;
	s19 =	sadd.s32 $0x100, s6;
	[sflag:s17] =	ssyncset.done $0x0  }
.LBB2_2:
0x27: {  	s23 =	sadd.s32 s21, s9  }
0x28: {  	[sflag:s17] =	ssyncadd.s32 $0xFFFFF800;
	s24 =	smov.u32 s22;
	s25 =	sadd.s32 $0x10, s22  }
0x29: {  	[tilespmem:s2], [sflag:$0x5] =	stream.linear.gather [hbm4b:s23+s2], $0x80, $0x38;
	[tilespmem:$0x1100] =	vst v63  }
0x2a: {  	p0 =	sne.s32 s22, $0x500;
	_ =	swait.ge [sflag:s10], $0x80  }
0x2b: {  	[sflag:s10] =	ssyncset.done $0x0  }
0x2c: {  	s22 =	sadd.s32 s21, s8;
	s21 =	smov.u32 s24;
	[sflag:s10] =	ssyncadd.s32 $0xFFFFFF80  }
0x2d: {  	[tilespmem:s11], [sflag:$0x5] =	stream.linear.gather [hbm4b:s22+s2], $0x80, $0x38;
	[tilespmem:$0x1100] =	vst v63  }
0x2e: {  	_ =	swait.ge [sflag:s10], $0x80  }
0x2f: {  	[sflag:s10] =	ssyncset.done $0x0  }
0x30: {  	[sflag:s10] =	ssyncadd.s32 $0xFFFFFF80  }
0x31: {  	[tilespmem:s12], [sflag:$0x1] =	stream.indirect.gather [hbm4b:s3+s11], $0x10, s2, s11, $0xb8;
	[tilespmem:$0x1100] =	vst v63  }
0x32: {  	_ = 	snop  }
0x33: {  	[tilespmem:s13], [sflag:$0x2] =	stream.indirect.gather [hbm4b:s4+s11], $0x10, s11, s11, $0xb8;
	[tilespmem:$0x1100] =	vst v63  }
0x34: {  	_ =	swait.ge [sflag:s14], $0x800  }
0x35: {  	[sflag:s14] =	ssyncset.done $0x0  }
0x36: {  	[sflag:s14] =	ssyncadd.s32 $0xFFFFF800  }
0x37: {  	[hbm4b:s20+s2] =	stream.linear.scatter [tilespmem:s12], [sflag:$0x3], $0x800, $0x38;
	[tilespmem:$0x1100] =	vst v63  }
0x38: {  	_ =	swait.ge [sflag:s15], $0x800  }
0x39: {  	[sflag:s15] =	ssyncset.done $0x0  }
0x3a: {  	[sflag:s15] =	ssyncadd.s32 $0xFFFFF800  }
0x3b: {  	[hbm4b:s19+s2] =	stream.linear.scatter [tilespmem:s13], [sflag:$0x4], $0x800, $0x38;
	[tilespmem:$0x1100] =	vst v63  }
.Ltmp0:
0x3c: {  	_ =	swait.ge [sflag:s16], $0x800;
	(pc) =	sbr.rel @p0 .LBB2_2-.Ltmp0, $4  }
0x3d: {  	[sflag:s16] =	ssyncset.done $0x0  }
0x3e: {  	[sflag:s16] =	ssyncadd.s32 $0xFFFFF800  }
0x3f: {  	s22 =	smov.u32 s25;
	_ =	swait.ge [sflag:s17], $0x800  }
0x40: {  	s20 =	sadd.s32 $0x100, s20;
	s19 =	sadd.s32 $0x100, s19;
	[sflag:s17] =	ssyncset.done $0x0  }
0x41: {  	s22 =	sadd.s32 s21, s9;
	[sflag:s17] =	ssyncadd.s32 $0xFFFFF800  }
0x42: {  	[tilespmem:s2], [sflag:$0x5] =	stream.linear.gather [hbm4b:s22+s2], $0x80, $0x38;
	[tilespmem:$0x1100] =	vst v63  }
0x43: {  	_ =	swait.ge [sflag:s10], $0x80  }
0x44: {  	[sflag:s10] =	ssyncset.done $0x0  }
0x45: {  	s31 =	sadd.s32 s21, s8;
	[sflag:s10] =	ssyncadd.s32 $0xFFFFFF80  }
0x46: {  	[tilespmem:s11], [sflag:$0x5] =	stream.linear.gather [hbm4b:s31+s2], $0x80, $0x38;
	[tilespmem:$0x1100] =	vst v63  }
0x47: {  	_ =	swait.ge [sflag:s10], $0x80  }
0x48: {  	[sflag:s10] =	ssyncset.done $0x0  }
0x49: {  	[sflag:s10] =	ssyncadd.s32 $0xFFFFFF80  }
0x4a: {  	[tilespmem:s12], [sflag:$0x1] =	stream.indirect.gather [hbm4b:s3+s11], $0x10, s2, s11, $0xb8;
	[tilespmem:$0x1100] =	vst v63  }
0x4b: {  	_ = 	snop  }
0x4c: {  	[tilespmem:s13], [sflag:$0x2] =	stream.indirect.gather [hbm4b:s4+s11], $0x10, s11, s11, $0xb8;
	[tilespmem:$0x1100] =	vst v63  }
0x4d: {  	_ =	swait.ge [sflag:s14], $0x800  }
0x4e: {  	[sflag:s14] =	ssyncset.done $0x0  }
0x4f: {  	[sflag:s14] =	ssyncadd.s32 $0xFFFFF800  }
0x50: {  	[hbm4b:s20+s2] =	stream.linear.scatter [tilespmem:s12], [sflag:$0x3], $0x800, $0x38;
	[tilespmem:$0x1100] =	vst v63  }
0x51: {  	_ =	swait.ge [sflag:s15], $0x800  }
0x52: {  	[sflag:s15] =	ssyncset.done $0x0  }
0x53: {  	s18 =	sadd.s32 $0x1, s18;
	[sflag:s15] =	ssyncadd.s32 $0xFFFFF800  }
0x54: {  	[hbm4b:s19+s2] =	stream.linear.scatter [tilespmem:s13], [sflag:$0x4], $0x800, $0x38;
	[tilespmem:$0x1100] =	vst v63  }
0x55: {  	p0 =	sne.s32 s18, s5;
	_ =	swait.ge [sflag:s16], $0x800  }
.Ltmp1:
0x56: {  	[sflag:s16] =	ssyncset.done $0x0;
	(pc) =	sbr.rel @p0 .LBB2_1-.Ltmp1, $4  }
0x57: {  	[sflag:s16] =	ssyncadd.s32 $0xFFFFF800  }
0x58: {  	_ =	swait.ge [sflag:s17], $0x800  }
0x59: {  	[sflag:s17] =	ssyncset.done $0x0  }
0x5a: {  	[sflag:s17] =	ssyncadd.s32 $0xFFFFF800  }
0x5b: {  	_ =	sfence.sel $0x180000  }
0x5c: {  	[bflag:$0x0] =	sbarrier.arrive $0xFFFF  }
0x5d: {  	p0 =	sne.s32 s1, $0x0;
	_ =	strace $0x9000004D  }
0x5e: {  	s0 =	sadd.s32 @!p0 $0x100000, s0;
	[bflag:$0x2] =	sbarrier.arrive $0xFFFF  }
0x5f: {  	[sflag:s0] =	ssyncadd.tile.s32 @!p0 $0x1;
	_ =	shalt  }
.Lfunc_end2:
_tile_overlayer_lowered:
.L_overlay_start_2:
0x60: {  	(tag) =	ssettag $0x2  }
0x61: {  	s0 =	rddreg [dreg:$0x0];
	s2 =	stileid.u32  }
0x62: {  	s1 =	rddreg [dreg:$0x1];
	p0 =	sne.s32 s2, $0x0  }
0x63: {  	s3 =	rddreg [dreg:$0x2];
	[bflag:$0x3] =	sbarrier.arrive $0xFFFF;
	s2 =	simm.s32 @!p0 $0x1C05  }
0x64: {  	[timem:s3], [sflag:s2] =	dma.local @!p0 [hbm:s0], s1  }
0x65: {  	s0 =	simm.s32 @!p0 $0x5  }
0x66: {  	_ =	swait.ge @!p0 [sflag:s0], s1  }
0x67: {  	s1 =	ssub.s32 @!p0 $0x0, s1;
	[sflag:s0] =	ssyncset.done @!p0 $0x0  }
0x68: {  	[sflag:s0] =	ssyncadd.s32 @!p0 s1  }
0x69: {  	[bflag:$0x3] =	sbarrier.arrive $0xFFFF  }
0x6a: {  	_ =	shalt  }

// kernel: kernel.20.cloned.1.call-start
scs
__scs_entry_jumppad:
0x0: {  	(pc) =	sbr.rel $0x88, $3  }
0x1: {  	(tag) =	ssettag $0x0;
	lr =	simm.s32 $0x1  }
0x2: {  	[smem:$0x3F97] =	sst lr;
	_ =	strace $0xD0000000  }
0x3: {  	_ = 	snop  }
0x4: {  	_ = 	snop  }
0x5: {  	_ = 	snop  }
0x6: {  	_ = 	snop  }
0x7: {  	_ = 	snop  }
__scs_overlays_trampoline_lowered:
0x8: {  	[smem:$0x3FA6] =	sst s0  }
0x9: {  	[smem:$0x3FA7] =	sst s1  }
0xa: {  	[smem:$0x3FA8] =	sst s2  }
0xb: {  	[smem:$0x3FA9] =	sst s3  }
0xc: {  	[smem:$0x3FAA] =	sst s4  }
0xd: {  	[smem:$0x3FAB] =	sst s5  }
0xe: {  	[smem:$0x3FAC] =	sst s6  }
0xf: {  	[smem:$0x3FAD] =	sst s7  }
0x10: {  	[smem:$0x3FAE] =	sst s8  }
0x11: {  	[smem:$0x3FAF] =	sst s9;
	s0 =	simm.s32 @!p0 $0x0  }
0x12: {  	s1 =	sld [smem:$0x3F95];
	s0 =	simm.s32 @p0 $0x1  }
0x13: {  	[smem:$0x3FB0] =	sst s0;
	s0 =	simm.s32 @!p1 $0x0  }
0x14: {  	s2 =	sld [smem:$0x3F94];
	s0 =	simm.s32 @p1 $0x1  }
0x15: {  	[smem:$0x3FB1] =	sst s0;
	s0 =	simm.s32 @!p2 $0x0  }
0x16: {  	s3 =	sld [smem:$0x3FDB];
	s0 =	simm.s32 @p2 $0x1  }
0x17: {  	s4 =	simm.s32 $0x1BF5;
	[smem:$0x3FB3] =	sst s0  }
0x18: {  	s0 =	sld [smem:$0x3F96];
	_ =	swait.ge [sflag:s4], $0x0  }
0x19: {  	s7 =	sld [smem:$0x3F97]  }
0x1a: {  	s8 =	sadd.s32 $0xFFFFE003, lr  }
0x1b: {  	s9 =	sadd.s32 $0xFFFFFEF7, lr;
	s5 =	simm.s32 $0xFFFFFFFF;
	p2 =	slt.u32 s8, $0xFFFFF086  }
0x1c: {  	p1 =	slt.u32 s9, $0xF7A;
	s5 =	simm.s32 @!p2 $0x0  }
0x1d: {  	s5 =	simm.s32 @p1 $0x1;
	p0 =	seq.s32 s7, s2  }
0x1e: {  	s7 =	smul.u32 @!p0 $0xF7A, s2;
	p2 =	seq.s32 @!p0 s5, $0x0  }
0x1f: {  	s9 =	smul.u32 $0xF7A, s1;
	s8 =	simm.s32 @!p0 $0x1BF5;
	p2 =	por !p2, p0  }
0x20: {  	[sflag:s8] =	ssyncset.s32 @!p0 $0xFFFFF086;
	s6 =	sadd.s32 @!p0 s3, s7;
	s7 =	simm.s32 @!p0 $0x108  }
0x21: {  	s3 =	sadd.s32 s3, s9;
	s6 =	sadd.s32 @!p0 $0x88, s6;
	s7 =	simm.s32 @p2 $0x1082  }
0x22: {  	[simem:s7], [sflag:s8] =	dma.local @!p0 [hbm:s6], $0xF7A  }
0x23: {  	s9 =	sor.u32 $0xD0000000, s2;
	s6 =	simm.s32 $0x108;
	_ =	swait.ge @!p0 [sflag:s8], $0x0  }
0x24: {  	s3 =	sadd.s32 $0x88, s3;
	s6 =	simm.s32 @!p1 $0x1082;
	[sflag:s4] =	ssyncset.s32 $0xFFFFF086  }
0x25: {  	[simem:s6], [sflag:s4] =	dma.local [hbm:s3], $0xF7A  }
0x26: {  	[smem:$0x3F97] =	sst s1;
	(tag) =	ssettag s2;
	_ =	strace s9  }
0x27: {  	s1 =	sld [smem:$0x3FA7]  }
0x28: {  	s2 =	sld [smem:$0x3FA8]  }
0x29: {  	s4 =	sld [smem:$0x3FAA]  }
0x2a: {  	p0 =	seq.s32 s5, $0x0;
	s5 =	sld [smem:$0x3FAB]  }
0x2b: {  	s6 =	sld [smem:$0x3FAC]  }
0x2c: {  	s7 =	sld [smem:$0x3FAD]  }
0x2d: {  	s3 =	simm.s32 $0x108;
	s8 =	sld [smem:$0x3FAE]  }
0x2e: {  	s3 =	simm.s32 @!p0 $0x1082;
	s9 =	sld [smem:$0x3FAF]  }
0x2f: {  	lr =	sadd.s32 s0, s3;
	s0 =	sld [smem:$0x3FA6]  }
0x30: {  	s3 =	sld [smem:$0x3FA9]  }
0x31: {  	[smem:$0x3FB2] =	sst s10  }
0x32: {  	s10 =	sld [smem:$0x3FB0];
	_ =	sdelay $0x3  }
0x33: {  	p0 =	seq.s32 s10, $0x1;
	s10 =	sld [smem:$0x3FB2];
	_ =	sdelay $0x3  }
0x34: {  	[smem:$0x3FB2] =	sst s10  }
0x35: {  	s10 =	sld [smem:$0x3FB1];
	_ =	sdelay $0x3  }
0x36: {  	p1 =	seq.s32 s10, $0x1;
	s10 =	sld [smem:$0x3FB2];
	_ =	sdelay $0x3  }
0x37: {  	[smem:$0x3FB2] =	sst s10  }
0x38: {  	s10 =	sld [smem:$0x3FB3]  }
0x39: {  	_ = 	snop;
	(pc) =	sbr.ind lr, $3  }
0x3a: {  	_ = 	snop  }
0x3b: {  	_ = 	snop  }
0x3c: {  	p2 =	seq.s32 s10, $0x1;
	s10 =	sld [smem:$0x3FB2]  }
0x3d: {  	_ =	shalt  }
0x3e: {  	_ =	shalt  }
0x3f: {  	_ =	shalt  }
0x40: {  	_ =	shalt  }
0x41: {  	_ =	shalt  }
0x42: {  	_ =	shalt  }
0x43: {  	_ =	shalt  }
0x44: {  	_ =	shalt  }
0x45: {  	_ =	shalt  }
0x46: {  	_ =	shalt  }
0x47: {  	_ =	shalt  }
0x48: {  	_ =	shalt  }
0x49: {  	_ =	shalt  }
0x4a: {  	_ =	shalt  }
0x4b: {  	_ =	shalt  }
0x4c: {  	_ =	shalt  }
0x4d: {  	_ =	shalt  }
0x4e: {  	_ =	shalt  }
0x4f: {  	_ =	shalt  }
0x50: {  	_ =	shalt  }
0x51: {  	_ =	shalt  }
0x52: {  	_ =	shalt  }
0x53: {  	_ =	shalt  }
0x54: {  	_ =	shalt  }
0x55: {  	_ =	shalt  }
0x56: {  	_ =	shalt  }
0x57: {  	_ =	shalt  }
0x58: {  	_ =	shalt  }
0x59: {  	_ =	shalt  }
0x5a: {  	_ =	shalt  }
0x5b: {  	_ =	shalt  }
0x5c: {  	_ =	shalt  }
0x5d: {  	_ =	shalt  }
0x5e: {  	_ =	shalt  }
0x5f: {  	_ =	shalt  }
0x60: {  	_ =	shalt  }
0x61: {  	_ =	shalt  }
0x62: {  	_ =	shalt  }
0x63: {  	_ =	shalt  }
0x64: {  	_ =	shalt  }
0x65: {  	_ =	shalt  }
0x66: {  	_ =	shalt  }
0x67: {  	_ =	shalt  }
0x68: {  	_ =	shalt  }
0x69: {  	_ =	shalt  }
0x6a: {  	_ =	shalt  }
0x6b: {  	_ =	shalt  }
0x6c: {  	_ =	shalt  }
0x6d: {  	_ =	shalt  }
0x6e: {  	_ =	shalt  }
0x6f: {  	_ =	shalt  }
0x70: {  	_ =	shalt  }
0x71: {  	_ =	shalt  }
0x72: {  	_ =	shalt  }
0x73: {  	_ =	shalt  }
0x74: {  	_ =	shalt  }
0x75: {  	_ =	shalt  }
0x76: {  	_ =	shalt  }
0x77: {  	_ =	shalt  }
0x78: {  	_ =	shalt  }
0x79: {  	_ =	shalt  }
0x7a: {  	_ =	shalt  }
0x7b: {  	_ =	shalt  }
0x7c: {  	_ =	shalt  }
0x7d: {  	_ =	shalt  }
0x7e: {  	_ =	shalt  }
0x7f: {  	_ =	shalt  }
0x80: {  	_ =	shalt  }
0x81: {  	_ =	shalt  }
0x82: {  	_ =	shalt  }
0x83: {  	_ =	shalt  }
0x84: {  	_ =	shalt  }
0x85: {  	_ =	shalt  }
0x86: {  	_ =	shalt  }
0x87: {  	_ =	shalt  }
.Lfunc_end0:
.L_simem_size_0:
called_computation.3_lowered:
.L_overlay_start_0:
0x88: {  	s2 =	sld [smem:$0x3FD9]  }
0x89: {  	s3 =	sld [smem:$0x3FFE];
	_ =	sdelay $0x1  }
0x8a: {  	s1 =	srdreg.scid  }
0x8b: {  	s0 =	sand.u32 $0x1, s1  }
0x8c: {  	s16 =	sshll.u32 s0, $0xA;
	s2 =	sadd.s32 s3, s2  }
0x8d: {  	s2 =	sadd.s32 s2, s16  }
0x8e: {  	[smem:$0x3FBE] =	sst s2  }
0x8f: {  	_ = 	snop  }
0x90: {  	(tm) =	ssettm $0x1  }
0x91: {  	s17 =	sld [smem:$0x3FFB];
	_ =	sdelay $0x3  }
0x92: {  	_ =	strace s17  }
0x93: {  	s2 =	sld [smem:$0x3FFC];
	_ =	sdelay $0x3  }
0x94: {  	_ =	strace s2  }
0x95: {  	s2 =	sld [smem:$0x3FFD];
	_ =	sdelay $0x3  }
0x96: {  	_ =	strace s2  }
0x97: {  	_ =	strace $0x8FFFFFFF  }
0x98: {  	s18 =	sld [smem:$0x3FDB];
	_ =	sdelay $0x1  }
0x99: {  	s19 =	simm.s32 $_scs_section_size  }
0x9a: {  	s4 =	simm.s32 $_size__tile_overlayer_lowered;
	s5 =	simm.s32 $_tile_overlayer_lowered  }
0x9b: {  	s22 =	simm.s32 $0x1BFF;
	s21 =	sshll.u32 s5, $0x1;
	s2 =	sadd.s32 s19, s18  }
0x9c: {  	s6 =	simm.s32 $0x0;
	s20 =	sshll.u32 s4, $0x1;
	s4 =	sadd.s32 s21, s2  }
0x9d: {  	[timem:s6], [sflag:s22] =	dma.local [hbm:s4], s20  }
0x9e: {  	_ =	swait.ge [sflag:s22], s20  }
0x9f: {  	s3 =	ssub.s32 $0x0, s20;
	[sflag:s22] =	ssyncset.done $0x0  }
0xa0: {  	[sflag:s22] =	ssyncadd.s32 s3;
	_ =	sdelay $0x1  }
0xa1: {  	s23 =	simm.s32 $0x1B8B  }
0xa2: {  	_ =	swait.ge [sflag:s23], $0x1  }
0xa3: {  	[sflag:s23] =	ssyncset.done $0x0  }
0xa4: {  	s25 =	simm.s32 $0x1B8E;
	s24 =	sld [smem:$0x3FFE];
	[sflag:s23] =	ssyncadd.s32 $0xFFFFFFFF  }
0xa5: {  	s26 =	simm.s32 $execute0_lowered;
	[smem:$0x3FD2] =	sst s25  }
0xa6: {  	s4 =	sshll.u32 s26, $0x1;
	_ =	strace $0x8000004F;
	[dreg:$0x1] =	wrdreg $0xFFFFFFFF  }
0xa7: {  	s28 =	simm.s32 $_size_execute0_lowered;
	s2 =	sadd.s32 s2, s4;
	[dreg:$0x0] =	wrdreg $0x0  }
0xa8: {  	s4 =	sshll.u32 s28, $0x1;
	[dreg:$0x2] =	wrdreg s2  }
0xa9: {  	[dreg:$0x3] =	wrdreg s4  }
0xaa: {  	[dreg:$0x4] =	wrdreg $0xC0  }
0xab: {  	_ =	task [dreg:s6], $0x5FFFF  }
0xac: {  	[dreg:$0x1] =	wrdreg $0xFFFFFFFF  }
0xad: {  	[dreg:$0x0] =	wrdreg $0x60  }
0xae: {  	[dreg:$0x2] =	wrdreg s24  }
0xaf: {  	[dreg:$0x3] =	wrdreg $0x10800  }
0xb0: {  	[dreg:$0x4] =	wrdreg $0x9  }
0xb1: {  	_ =	task.clear_ibuf [dreg:s6], $0x5FFFF;
	_ =	strace $0x9000004F  }
0xb2: {  	s29 =	simm.s32 $0x9;
	_ =	strace $0x80000051  }
0xb3: {  	_ =	swait.ge [sflag:s29], $0x1  }
0xb4: {  	[sflag:s29] =	ssyncadd.s32 $0xFFFFFFFF  }
0xb5: {  	_ =	strace $0x90000051  }
0xb6: {  	_ =	sfence  }
0xb7: {  	s30 =	sld [smem:$0x0];
	_ =	sdelay $0x2  }
0xb8: {  	s31 =	sshll.u32 s1, $0xD;
	s1 =	sshrl.u32 s1, $0x2  }
0xb9: {  	s3 =	sand.u32 $0x4000, s31;
	s1 =	sadd.s32 s1, s30  }
0xba: {  	s0 =	sor.u32 s3, s0;
	s1 =	sshll.u32 s1, $0x11  }
0xbb: {  	s0 =	sor.u32 s1, s0  }
0xbc: {  	s0 =	sadd.s32 $0x8F2B, s0  }
0xbd: {  	[sflag:s0] =	ssyncadd.remote.s32 $0x1  }
0xbe: {  	_ =	sfence.sel $0xFFFF  }
0xbf: {  	[dreg:$0x0] =	wrdreg $0xFFFFFFFF;
	(pc) =	sbr.abs _section_cstart, $3  }
0xc0: {  	[dreg:$0x1] =	wrdreg $0xFFFFFFFF  }
0xc1: {  	_ =	task.clear_ibuf [dreg:s6], $0x2FFFF;
	_ =	strace $0x9FFFFFFF  }
0xc2: {  	(tm) =	ssettm $0x7FFFFFFF  }
0xc3: {  	_ =	shalt  }
tec
execute0_lowered:
.L_overlay_start_1:
0x0: {  	(tag) =	ssettag $0x1  }
0x1: {  	s0 =	stileid.u32  }
0x2: {  	s1 =	srdreg.scid;
	s4 =	rddreg [dreg:$0x0]  }
0x3: {  	s2 =	rddreg [dreg:$0x1];
	s3 =	simm.s32 $0x0;
	s6 =	smul.u32 $0x5100, s0  }
0x4: {  	s14 =	simm.s32 $0x2;
	s15 =	simm.s32 $0x0;
	s8 =	smul.u32 $0x14400, s0  }
0x5: {  	s5 =	sand.u32 $0x1, s1;
	s1 =	rddreg [dreg:$0x2];
	s28 =	smul.u32 $0x5000, s0  }
0x6: {  	[smem:$0x7FF] =	sst s3;
	s31 =	sshll.u32 s0, $0x6;
	s7 =	smul.u32 $0x2880, s5  }
0x7: {  	s9 =	smul.u32 $0x50000, s5;
	_ =	strace $0x80000050;
	s11 =	ssub.s32 $0x2, s5  }
0x8: {  	s30 =	smul.u32 $0xA200, s5;
	s5 =	sor.u32 $0x1C03, s31;
	s8 =	sadd.s32 s8, s4  }
0x9: {  	s29 =	sshrl.u32 s28, $0x3;
	s12 =	sshrl.u32 s11, $0x1;
	s13 =	sadd.s32 s28, s2  }
0xa: {  	s6 =	sadd.s32 s7, s6;
	s9 =	sadd.s32 s28, s9;
	s11 =	ssub.s32 s11, s12  }
0xb: {  	s8 =	sadd.s32 s30, s8;
	s12 =	simm.s32 $0x80;
	s6 =	sshrl.u32 s6, $0x3  }
0xc: {  	s9 =	sshrl.u32 s9, $0x3;
	s7 =	smax.u32 s11, $0x1;
	s8 =	sadd.s32 $0xD000, s8  }
0xd: {  	s10 =	sadd.s32 s6, s4;
	s6 =	sadd.s32 s29, s4;
	s9 =	sadd.s32 s9, s4  }
0xe: {  	s11 =	simm.s32 $0x3;
	s4 =	sadd.s32 $0x151000, s6;
	s6 =	sadd.s32 $0x15B000, s9  }
0xf: {  	s9 =	sadd.s32 $0x2E00, s10;
	s10 =	sshrl.u32 s13, $0x3;
	s13 =	simm.s32 $0x1  }
.LBB2_1:
0x10: {  	[spmem:s10], [sflag:s5] =	dma.local [hbm:s4], $0xA00  }
0x11: {  	_ =	swait.ge [sflag:s11], $0xA00  }
0x12: {  	[sflag:s11] =	ssyncset.done $0x0  }
0x13: {  	[sflag:s11] =	ssyncadd.s32 $0xFFFFF600  }
0x14: {  	s16 =	sadd.s32 $0x0, s9;
	[bflag:$0x0] =	sbarrier.arrive $0xFFFF  }
0x15: {  	[tilespmem:s3], [sflag:$0x1] =	stream.linear.gather [hbm4b:s16+s3], $0x80, $0x38;
	[tilespmem:$0x6080] =	vst v63  }
0x16: {  	_ = 	snop  }
0x17: {  	[tilespmem:s12], [sflag:$0x2] =	stream.linear.gather [hbm4b:s8+s3], $0x1000, $0x38;
	[tilespmem:$0x6080] =	vst v63  }
0x18: {  	_ =	swait.ge [sflag:s13], $0x80  }
0x19: {  	[sflag:s13] =	ssyncset.done $0x0  }
0x1a: {  	[sflag:s13] =	ssyncadd.s32 $0xFFFFFF80  }
0x1b: {  	_ =	swait.ge [sflag:s14], $0x1000  }
0x1c: {  	[sflag:s14] =	ssyncset.done $0x0  }
0x1d: {  	[sflag:s14] =	ssyncadd.s32 $0xFFFFF000  }
0x1e: {  	[spmem:s2] =	stream.indirect.scatter.add.f32 [tilespmem:s12], [sflag:$0x3], $0x20, s3, s12, $0xb8;
	[tilespmem:$0x6080] =	vst v63  }
0x1f: {  	s17 =	simm.s32 $0x10;
	_ =	swait.ge [sflag:s11], $0x1000  }
0x20: {  	s18 =	simm.s32 $0x20;
	s16 =	sadd.s32 $0x200, s8;
	[sflag:s11] =	ssyncset.done $0x0  }
.LBB2_2:
0x21: {  	s19 =	sadd.s32 s17, s9  }
0x22: {  	[sflag:s11] =	ssyncadd.s32 $0xFFFFF000;
	s17 =	smov.u32 s18;
	s20 =	sadd.s32 $0x10, s18  }
0x23: {  	[tilespmem:s3], [sflag:$0x1] =	stream.linear.gather [hbm4b:s19+s3], $0x80, $0x38;
	[tilespmem:$0x6080] =	vst v63  }
0x24: {  	p0 =	sne.s32 s18, $0x500  }
0x25: {  	[tilespmem:s12], [sflag:$0x2] =	stream.linear.gather [hbm4b:s16+s3], $0x1000, $0x38;
	[tilespmem:$0x6080] =	vst v63  }
0x26: {  	_ =	swait.ge [sflag:s13], $0x80  }
0x27: {  	[sflag:s13] =	ssyncset.done $0x0  }
0x28: {  	[sflag:s13] =	ssyncadd.s32 $0xFFFFFF80  }
0x29: {  	_ =	swait.ge [sflag:s14], $0x1000  }
.Ltmp0:
0x2a: {  	[sflag:s14] =	ssyncset.done $0x0;
	(pc) =	sbr.rel @p0 .LBB2_2-.Ltmp0, $4  }
0x2b: {  	[sflag:s14] =	ssyncadd.s32 $0xFFFFF000  }
0x2c: {  	[spmem:s2] =	stream.indirect.scatter.add.f32 [tilespmem:s12], [sflag:$0x3], $0x20, s3, s12, $0xb8;
	[tilespmem:$0x6080] =	vst v63  }
0x2d: {  	_ =	swait.ge [sflag:s11], $0x1000  }
0x2e: {  	s18 =	smov.u32 s20;
	s16 =	sadd.s32 $0x200, s16;
	[sflag:s11] =	ssyncset.done $0x0  }
0x2f: {  	s17 =	sadd.s32 s17, s9;
	[sflag:s11] =	ssyncadd.s32 $0xFFFFF000  }
0x30: {  	[tilespmem:s3], [sflag:$0x1] =	stream.linear.gather [hbm4b:s17+s3], $0x80, $0x38;
	[tilespmem:$0x6080] =	vst v63  }
0x31: {  	_ = 	snop  }
0x32: {  	[tilespmem:s12], [sflag:$0x2] =	stream.linear.gather [hbm4b:s16+s3], $0x1000, $0x38;
	[tilespmem:$0x6080] =	vst v63  }
0x33: {  	_ =	swait.ge [sflag:s13], $0x80  }
0x34: {  	[sflag:s13] =	ssyncset.done $0x0  }
0x35: {  	[sflag:s13] =	ssyncadd.s32 $0xFFFFFF80  }
0x36: {  	_ =	swait.ge [sflag:s14], $0x1000  }
0x37: {  	[sflag:s14] =	ssyncset.done $0x0  }
0x38: {  	[sflag:s14] =	ssyncadd.s32 $0xFFFFF000  }
0x39: {  	[spmem:s2] =	stream.indirect.scatter.add.f32 [tilespmem:s12], [sflag:$0x3], $0x20, s3, s12, $0xb8;
	[tilespmem:$0x6080] =	vst v63  }
0x3a: {  	_ =	swait.ge [sflag:s11], $0x1000  }
0x3b: {  	s15 =	sadd.s32 $0x1, s15;
	[sflag:s11] =	ssyncset.done $0x0  }
0x3c: {  	p0 =	sne.s32 s15, s7;
	[sflag:s11] =	ssyncadd.s32 $0xFFFFF000  }
.Ltmp1:
0x3d: {  	[bflag:$0x0] =	sbarrier.arrive $0xFFFF;
	(pc) =	sbr.rel @p0 .LBB2_1-.Ltmp1, $4  }
0x3e: {  	[hbm:s6], [sflag:s5] =	dma.local [spmem:s10], $0xA00  }
0x3f: {  	_ =	swait.ge [sflag:s11], $0xA00  }
0x40: {  	[sflag:s11] =	ssyncset.done $0x0  }
0x41: {  	[sflag:s11] =	ssyncadd.s32 $0xFFFFF600  }
0x42: {  	_ =	sfence.sel $0x180000  }
0x43: {  	[bflag:$0x0] =	sbarrier.arrive $0xFFFF  }
0x44: {  	p0 =	sne.s32 s0, $0x0;
	_ =	strace $0x90000050  }
0x45: {  	s0 =	sadd.s32 @!p0 $0x100000, s1;
	[bflag:$0x2] =	sbarrier.arrive $0xFFFF  }
0x46: {  	[sflag:s0] =	ssyncadd.tile.s32 @!p0 $0x1;
	_ =	shalt  }
.Lfunc_end2:
_tile_overlayer_lowered:
.L_overlay_start_2:
0x47: {  	(tag) =	ssettag $0x2  }
0x48: {  	s0 =	rddreg [dreg:$0x0];
	s2 =	stileid.u32  }
0x49: {  	s1 =	rddreg [dreg:$0x1];
	p0 =	sne.s32 s2, $0x0  }
0x4a: {  	s3 =	rddreg [dreg:$0x2];
	[bflag:$0x3] =	sbarrier.arrive $0xFFFF;
	s2 =	simm.s32 @!p0 $0x1C03  }
0x4b: {  	[timem:s3], [sflag:s2] =	dma.local @!p0 [hbm:s0], s1  }
0x4c: {  	s0 =	simm.s32 @!p0 $0x3  }
0x4d: {  	_ =	swait.ge @!p0 [sflag:s0], s1  }
0x4e: {  	s1 =	ssub.s32 @!p0 $0x0, s1;
	[sflag:s0] =	ssyncset.done @!p0 $0x0  }
0x4f: {  	[sflag:s0] =	ssyncadd.s32 @!p0 s1  }
0x50: {  	[bflag:$0x3] =	sbarrier.arrive $0xFFFF  }
0x51: {  	_ =	shalt  }

</sc_bundles>
